<compile_context>
chip_gen: v7x
topology: tpu7x:2x2x1
jax: 0.10.2.dev20260603
libtpu: 0.0.44.dev20260713+nightly
codegen_flags: <defaults>
</compile_context>

<pallas_src>
import functools

import jax
import jax.numpy as jnp
from jax import lax
from jax.experimental import pallas as pl
from jax.experimental.pallas import tpu as pltpu
from jax.experimental.pallas import tpu_sc as plsc

_CHUNK = 112
_NBUF = 4
_NREP = 128


@jax.jit
def kernel(z, W):
    (B,) = z.shape
    V, D = W.shape
    z = z.astype(jnp.int32)

    info = plsc.get_sparse_core_info()
    num_cores, num_subcores = info.num_cores, info.num_subcores
    nw = num_cores * num_subcores
    C = _CHUNK
    n_full = B // C
    n_chunks = -(-B // C)
    n_chunks = -(-n_chunks // nw) * nw
    per_w = n_chunks // nw

    R = _NREP
    W_rep = jnp.tile(W, (R, 1))
    z = z + (jnp.arange(B, dtype=jnp.int32) % R) * V

    parts = []
    if n_full:
        parts.append(z[: n_full * C].reshape(n_full, C))
    if n_chunks > n_full:
        parts.append(jnp.broadcast_to(z[B - C :], (n_chunks - n_full, C)))
    z_resh = jnp.concatenate(parts, axis=0) if len(parts) > 1 else parts[0]
    z_resh = z_resh.reshape(nw, per_w, C)

    mesh = plsc.VectorSubcoreMesh(core_axis_name="c", subcore_axis_name="s")
    nbuf = min(_NBUF, per_w)

    @functools.partial(
        pl.kernel,
        mesh=mesh,
        out_type=jax.ShapeDtypeStruct((B, D), jnp.float32),
        scratch_types=(
            [
                pltpu.VMEM((per_w, C), jnp.int32),
                pltpu.VMEM_SHARED((R * V, D), jnp.float32),
            ]
            + [pltpu.VMEM((C, D), jnp.float32) for _ in range(nbuf)]
            + [pltpu.SemaphoreType.DMA for _ in range(2 * nbuf)]
        ),
    )
    def sc_embed(w_hbm, zr_hbm, out_hbm, idx_v, w_sh, *rest):
        rows = rest[:nbuf]
        gsem = rest[nbuf : 2 * nbuf]
        osem = rest[2 * nbuf :]
        sid = lax.axis_index("s")
        wid = sid * num_cores + lax.axis_index("c")
        stage = R * V // num_subcores
        s0 = pl.multiple_of(sid * stage, 8)
        pltpu.sync_copy(w_hbm.at[pl.ds(s0, stage)], w_sh.at[pl.ds(s0, stage)])
        pltpu.sync_copy(zr_hbm.at[wid], idx_v)
        plsc.subcore_barrier()

        h_g = [None] * nbuf
        h_o = [None] * nbuf
        for t in range(per_w + nbuf - 1):
            if t < per_w:
                b = t % nbuf
                if h_o[b] is not None:
                    h_o[b].wait()
                    h_o[b] = None
                h_g[b] = pltpu.async_copy(w_sh.at[idx_v.at[t]], rows[b], gsem[b])
            j = t - (nbuf - 1)
            if j >= 0:
                b = j % nbuf
                h_g[b].wait()
                k = wid * per_w + j
                s = pl.multiple_of(jnp.minimum(k * C, B - C), 8)
                h_o[b] = pltpu.async_copy(rows[b], out_hbm.at[pl.ds(s, C)], osem[b])
        for b in range(nbuf):
            if h_o[b] is not None:
                h_o[b].wait()

    return sc_embed(W_rep, z_resh)

# --- scband reference (transcript-rebuilt; emitter-appended) ---
"""Pipeline reference for scband-embed-z-43774306681428 (READ-ONLY COPY).

The authoritative reference and input builder live on the scoring server;
editing this copy changes nothing except your own understanding.
"""

import jax, jax.numpy as jnp
import numpy as np
import math

MAX_Z = 37
EMBED_DIM = 128
N_NODES = 100000

def setup_inputs(seed: int = 0) -> dict:
    key = jax.random.key(seed)
    k_z, k_w = jax.random.split(key)
    z = jax.random.randint(k_z, (N_NODES,), 0, MAX_Z, dtype=jnp.int64 if jax.config.jax_enable_x64 else jnp.int32)
    # nn.Embedding weight initialized uniform(-sqrt(3), sqrt(3)) per reset_parameters
    W = jax.random.uniform(k_w, (MAX_Z, EMBED_DIM), minval=-math.sqrt(3.0), maxval=math.sqrt(3.0), dtype=jnp.float32)
    return {"z": z, "W": W}

def reference(z, W):
    # Faithful translation: z_embed = self.z_embed(z) -> gather rows of table
    z_embed = jnp.take(W, z, axis=0)
    return z_embed

if __name__ == "__main__":
    import jax
    _d = setup_inputs()
    print(jax.jit(kernel)(*tuple(_d.values())))

</pallas_src>

<mosaic_0001>
#map = affine_map<(d0, d1) -> (0, 0)>
#map1 = affine_map<(d0, d1) -> (0, 0, 0)>
module attributes {stable_mosaic.version = 14 : i64} {
  func.func @sc_embed(%arg0: i32, %arg1: i32, %arg2: memref<4736x128xf32, #tpu.memory_space<hbm>>, %arg3: memref<32x28x112xi32, #tpu.memory_space<hbm>>, %arg4: memref<100000x128xf32, #tpu.memory_space<hbm>>, %arg5: memref<28x112xi32, #tpu.memory_space<vmem>>, %arg6: memref<4736x128xf32, #tpu.memory_space<vmem_shared>>, %arg7: memref<112x128xf32, #tpu.memory_space<vmem>>, %arg8: memref<112x128xf32, #tpu.memory_space<vmem>>, %arg9: memref<112x128xf32, #tpu.memory_space<vmem>>, %arg10: memref<112x128xf32, #tpu.memory_space<vmem>>, %arg11: memref<!tpu.dma_semaphore, #tpu.memory_space<semaphore_mem>>, %arg12: memref<!tpu.dma_semaphore, #tpu.memory_space<semaphore_mem>>, %arg13: memref<!tpu.dma_semaphore, #tpu.memory_space<semaphore_mem>>, %arg14: memref<!tpu.dma_semaphore, #tpu.memory_space<semaphore_mem>>, %arg15: memref<!tpu.dma_semaphore, #tpu.memory_space<semaphore_mem>>, %arg16: memref<!tpu.dma_semaphore, #tpu.memory_space<semaphore_mem>>, %arg17: memref<!tpu.dma_semaphore, #tpu.memory_space<semaphore_mem>>, %arg18: memref<!tpu.dma_semaphore, #tpu.memory_space<semaphore_mem>>) attributes {dimension_semantics = [#tpu.dimension_semantics<core_parallel>, #tpu.dimension_semantics<subcore_parallel>], iteration_bounds = array<i64: 2, 16>, scalar_prefetch = 0 : i64, scratch_operands = 14 : i64, tpu.core_type = #tpu.core_type<sc_vector_subcore>, window_params = [{transform_indices = #map}, {transform_indices = #map1}, {transform_indices = #map}]} {
    %mul3A = arith.constant 2 : i32
    %mul3A_0 = arith.muli %arg1, %mul3A : i32
    %add3A = arith.addi %mul3A_0, %arg0 : i32
    %mul3A_1 = arith.constant 296 : i32
    %mul3A_2 = arith.muli %arg1, %mul3A_1 : i32
    %multiple_of3A = tpu.assume_multiple %mul3A_2, 8 : i32
    "tpu.region"() ({
      %run_scoped3A = tpu.sem_alloc : memref<!tpu.dma_semaphore, #tpu.memory_space<semaphore_mem>>
      %dma_start3A_868 = arith.constant 0 : i32
      %dma_start3A_869 = tpu.memref_slice %arg6[%multiple_of3A, %dma_start3A_868] : memref<4736x128xf32, #tpu.memory_space<vmem_shared>> -> memref<296x128xf32, #tpu.memory_space<vmem_shared>>
      %dma_start3A_870 = arith.constant 0 : i32
      %dma_start3A_871 = tpu.memref_slice %arg2[%multiple_of3A, %dma_start3A_870] : memref<4736x128xf32, #tpu.memory_space<hbm>> -> memref<296x128xf32, #tpu.memory_space<hbm>>
      tpu.enqueue_dma source(%dma_start3A_871 : memref<296x128xf32, #tpu.memory_space<hbm>>) target(%dma_start3A_869 : memref<296x128xf32, #tpu.memory_space<vmem_shared>>) target_semaphore(%run_scoped3A : memref<!tpu.dma_semaphore, #tpu.memory_space<semaphore_mem>>)
      %dma_wait3A_872 = arith.constant 0 : i32
      %dma_wait3A_873 = tpu.memref_slice %arg6[%multiple_of3A, %dma_wait3A_872] : memref<4736x128xf32, #tpu.memory_space<vmem_shared>> -> memref<296x128xf32, #tpu.memory_space<vmem_shared>>
      %dma_wait3A_874 = arith.constant 0 : i32
      %dma_wait3A_875 = tpu.memref_slice %arg2[%multiple_of3A, %dma_wait3A_874] : memref<4736x128xf32, #tpu.memory_space<hbm>> -> memref<296x128xf32, #tpu.memory_space<hbm>>
      tpu.wait_dma2 semaphore(%run_scoped3A : memref<!tpu.dma_semaphore, #tpu.memory_space<semaphore_mem>>) src(%dma_wait3A_875 : memref<296x128xf32, #tpu.memory_space<hbm>>) dst(%dma_wait3A_873 : memref<296x128xf32, #tpu.memory_space<vmem_shared>>)
      tpu.yield
    }) : () -> ()
    "tpu.region"() ({
      %run_scoped3A = tpu.sem_alloc : memref<!tpu.dma_semaphore, #tpu.memory_space<semaphore_mem>>
      %dma_start3A_868 = arith.constant 0 : i32
      %dma_start3A_869 = arith.constant 0 : i32
      %dma_start3A_870 = tpu.memref_slice %arg3[%add3A, %dma_start3A_868, %dma_start3A_869] : memref<32x28x112xi32, #tpu.memory_space<hbm>> -> memref<1x28x112xi32, #tpu.memory_space<hbm>>
      %dma_start3A_871 = tpu.memref_squeeze %dma_start3A_870 : memref<1x28x112xi32, #tpu.memory_space<hbm>> -> memref<28x112xi32, #tpu.memory_space<hbm>>
      %dma_start3A_872 = arith.constant 0 : i32
      %dma_start3A_873 = arith.constant 0 : i32
      %dma_start3A_874 = tpu.memref_slice %arg3[%add3A, %dma_start3A_872, %dma_start3A_873] : memref<32x28x112xi32, #tpu.memory_space<hbm>> -> memref<1x28x112xi32, #tpu.memory_space<hbm>>
      %dma_start3A_875 = tpu.memref_squeeze %dma_start3A_874 : memref<1x28x112xi32, #tpu.memory_space<hbm>> -> memref<28x112xi32, #tpu.memory_space<hbm>>
      tpu.enqueue_dma source(%dma_start3A_875 : memref<28x112xi32, #tpu.memory_space<hbm>>) target(%arg5 : memref<28x112xi32, #tpu.memory_space<vmem>>) target_semaphore(%run_scoped3A : memref<!tpu.dma_semaphore, #tpu.memory_space<semaphore_mem>>)
      %dma_wait3A_876 = arith.constant 0 : i32
      %dma_wait3A_877 = arith.constant 0 : i32
      %dma_wait3A_878 = tpu.memref_slice %arg3[%add3A, %dma_wait3A_876, %dma_wait3A_877] : memref<32x28x112xi32, #tpu.memory_space<hbm>> -> memref<1x28x112xi32, #tpu.memory_space<hbm>>
      %dma_wait3A_879 = tpu.memref_squeeze %dma_wait3A_878 : memref<1x28x112xi32, #tpu.memory_space<hbm>> -> memref<28x112xi32, #tpu.memory_space<hbm>>
      %dma_wait3A_880 = arith.constant 0 : i32
      %dma_wait3A_881 = arith.constant 0 : i32
      %dma_wait3A_882 = tpu.memref_slice %arg3[%add3A, %dma_wait3A_880, %dma_wait3A_881] : memref<32x28x112xi32, #tpu.memory_space<hbm>> -> memref<1x28x112xi32, #tpu.memory_space<hbm>>
      %dma_wait3A_883 = tpu.memref_squeeze %dma_wait3A_882 : memref<1x28x112xi32, #tpu.memory_space<hbm>> -> memref<28x112xi32, #tpu.memory_space<hbm>>
      tpu.wait_dma2 semaphore(%run_scoped3A : memref<!tpu.dma_semaphore, #tpu.memory_space<semaphore_mem>>) src(%dma_wait3A_883 : memref<28x112xi32, #tpu.memory_space<hbm>>) dst(%arg5 : memref<28x112xi32, #tpu.memory_space<vmem>>)
      tpu.yield
    }) : () -> ()
    %barrier3A = arith.constant 0 : index
    tpu.barrier barrier_id(%barrier3A)
    %dma_start3A = arith.constant 0 : i32
    %dma_start3A_3 = arith.constant 0 : i32
    %dma_start3A_4 = tpu.memref_slice %arg5[%dma_start3A, %dma_start3A_3] : memref<28x112xi32, #tpu.memory_space<vmem>> -> memref<1x112xi32, #tpu.memory_space<vmem>>
    %dma_start3A_5 = tpu.memref_squeeze %dma_start3A_4 : memref<1x112xi32, #tpu.memory_space<vmem>> -> memref<112xi32, #tpu.memory_space<vmem>>
    %dma_start3A_6 = arith.constant 0 : i32
    %dma_start3A_7 = arith.constant 0 : i32
    %dma_start3A_8 = tpu.memref_slice %arg6[%dma_start3A_6, %dma_start3A_7] : memref<4736x128xf32, #tpu.memory_space<vmem_shared>> -> memref<4736x128xf32, #tpu.memory_space<vmem_shared>>
    tpu.enqueue_indirect_dma source(%dma_start3A_8 : memref<4736x128xf32, #tpu.memory_space<vmem_shared>>) target(%arg7 : memref<112x128xf32, #tpu.memory_space<vmem>>) offsets(%dma_start3A_5 : memref<112xi32, #tpu.memory_space<vmem>>) semaphore(%arg11 : memref<!tpu.dma_semaphore, #tpu.memory_space<semaphore_mem>>)
    %dma_start3A_9 = arith.constant 1 : i32
    %dma_start3A_10 = arith.constant 0 : i32
    %dma_start3A_11 = tpu.memref_slice %arg5[%dma_start3A_9, %dma_start3A_10] : memref<28x112xi32, #tpu.memory_space<vmem>> -> memref<1x112xi32, #tpu.memory_space<vmem>>
    %dma_start3A_12 = tpu.memref_squeeze %dma_start3A_11 : memref<1x112xi32, #tpu.memory_space<vmem>> -> memref<112xi32, #tpu.memory_space<vmem>>
    %dma_start3A_13 = arith.constant 0 : i32
    %dma_start3A_14 = arith.constant 0 : i32
    %dma_start3A_15 = tpu.memref_slice %arg6[%dma_start3A_13, %dma_start3A_14] : memref<4736x128xf32, #tpu.memory_space<vmem_shared>> -> memref<4736x128xf32, #tpu.memory_space<vmem_shared>>
    tpu.enqueue_indirect_dma source(%dma_start3A_15 : memref<4736x128xf32, #tpu.memory_space<vmem_shared>>) target(%arg8 : memref<112x128xf32, #tpu.memory_space<vmem>>) offsets(%dma_start3A_12 : memref<112xi32, #tpu.memory_space<vmem>>) semaphore(%arg12 : memref<!tpu.dma_semaphore, #tpu.memory_space<semaphore_mem>>)
    %dma_start3A_16 = arith.constant 2 : i32
    %dma_start3A_17 = arith.constant 0 : i32
    %dma_start3A_18 = tpu.memref_slice %arg5[%dma_start3A_16, %dma_start3A_17] : memref<28x112xi32, #tpu.memory_space<vmem>> -> memref<1x112xi32, #tpu.memory_space<vmem>>
    %dma_start3A_19 = tpu.memref_squeeze %dma_start3A_18 : memref<1x112xi32, #tpu.memory_space<vmem>> -> memref<112xi32, #tpu.memory_space<vmem>>
    %dma_start3A_20 = arith.constant 0 : i32
    %dma_start3A_21 = arith.constant 0 : i32
    %dma_start3A_22 = tpu.memref_slice %arg6[%dma_start3A_20, %dma_start3A_21] : memref<4736x128xf32, #tpu.memory_space<vmem_shared>> -> memref<4736x128xf32, #tpu.memory_space<vmem_shared>>
    tpu.enqueue_indirect_dma source(%dma_start3A_22 : memref<4736x128xf32, #tpu.memory_space<vmem_shared>>) target(%arg9 : memref<112x128xf32, #tpu.memory_space<vmem>>) offsets(%dma_start3A_19 : memref<112xi32, #tpu.memory_space<vmem>>) semaphore(%arg13 : memref<!tpu.dma_semaphore, #tpu.memory_space<semaphore_mem>>)
    %dma_start3A_23 = arith.constant 3 : i32
    %dma_start3A_24 = arith.constant 0 : i32
    %dma_start3A_25 = tpu.memref_slice %arg5[%dma_start3A_23, %dma_start3A_24] : memref<28x112xi32, #tpu.memory_space<vmem>> -> memref<1x112xi32, #tpu.memory_space<vmem>>
    %dma_start3A_26 = tpu.memref_squeeze %dma_start3A_25 : memref<1x112xi32, #tpu.memory_space<vmem>> -> memref<112xi32, #tpu.memory_space<vmem>>
    %dma_start3A_27 = arith.constant 0 : i32
    %dma_start3A_28 = arith.constant 0 : i32
    %dma_start3A_29 = tpu.memref_slice %arg6[%dma_start3A_27, %dma_start3A_28] : memref<4736x128xf32, #tpu.memory_space<vmem_shared>> -> memref<4736x128xf32, #tpu.memory_space<vmem_shared>>
    tpu.enqueue_indirect_dma source(%dma_start3A_29 : memref<4736x128xf32, #tpu.memory_space<vmem_shared>>) target(%arg10 : memref<112x128xf32, #tpu.memory_space<vmem>>) offsets(%dma_start3A_26 : memref<112xi32, #tpu.memory_space<vmem>>) semaphore(%arg14 : memref<!tpu.dma_semaphore, #tpu.memory_space<semaphore_mem>>)
    %dma_wait3A = arith.constant 0 : i32
    %dma_wait3A_30 = arith.constant 0 : i32
    %dma_wait3A_31 = tpu.memref_slice %arg5[%dma_wait3A, %dma_wait3A_30] : memref<28x112xi32, #tpu.memory_space<vmem>> -> memref<1x112xi32, #tpu.memory_space<vmem>>
    %dma_wait3A_32 = tpu.memref_squeeze %dma_wait3A_31 : memref<1x112xi32, #tpu.memory_space<vmem>> -> memref<112xi32, #tpu.memory_space<vmem>>
    %dma_wait3A_33 = arith.constant 0 : i32
    %dma_wait3A_34 = arith.constant 0 : i32
    %dma_wait3A_35 = tpu.memref_slice %arg6[%dma_wait3A_33, %dma_wait3A_34] : memref<4736x128xf32, #tpu.memory_space<vmem_shared>> -> memref<4736x128xf32, #tpu.memory_space<vmem_shared>>
    tpu.wait_indirect_dma semaphore(%arg11 : memref<!tpu.dma_semaphore, #tpu.memory_space<semaphore_mem>>) src(%dma_wait3A_35 : memref<4736x128xf32, #tpu.memory_space<vmem_shared>>) dst(%arg7 : memref<112x128xf32, #tpu.memory_space<vmem>>)
    %mul3A_36 = arith.constant 28 : i32
    %mul3A_37 = arith.muli %add3A, %mul3A_36 : i32
    %add3A_38 = arith.constant 0 : i32
    %add3A_39 = arith.addi %mul3A_37, %add3A_38 : i32
    %mul3A_40 = arith.constant 112 : i32
    %mul3A_41 = arith.muli %add3A_39, %mul3A_40 : i32
    %min3A = arith.constant 99888 : i32
    %min3A_42 = arith.minsi %mul3A_41, %min3A : i32
    %multiple_of3A_43 = tpu.assume_multiple %min3A_42, 8 : i32
    %dma_start3A_44 = arith.constant 0 : i32
    %dma_start3A_45 = tpu.memref_slice %arg4[%multiple_of3A_43, %dma_start3A_44] : memref<100000x128xf32, #tpu.memory_space<hbm>> -> memref<112x128xf32, #tpu.memory_space<hbm>>
    %dma_start3A_46 = arith.constant 0 : i32
    %dma_start3A_47 = tpu.memref_slice %arg4[%multiple_of3A_43, %dma_start3A_46] : memref<100000x128xf32, #tpu.memory_space<hbm>> -> memref<112x128xf32, #tpu.memory_space<hbm>>
    tpu.enqueue_dma source(%arg7 : memref<112x128xf32, #tpu.memory_space<vmem>>) target(%dma_start3A_47 : memref<112x128xf32, #tpu.memory_space<hbm>>) target_semaphore(%arg15 : memref<!tpu.dma_semaphore, #tpu.memory_space<semaphore_mem>>)
    %dma_wait3A_48 = arith.constant 0 : i32
    %dma_wait3A_49 = tpu.memref_slice %arg4[%multiple_of3A_43, %dma_wait3A_48] : memref<100000x128xf32, #tpu.memory_space<hbm>> -> memref<112x128xf32, #tpu.memory_space<hbm>>
    %dma_wait3A_50 = arith.constant 0 : i32
    %dma_wait3A_51 = tpu.memref_slice %arg4[%multiple_of3A_43, %dma_wait3A_50] : memref<100000x128xf32, #tpu.memory_space<hbm>> -> memref<112x128xf32, #tpu.memory_space<hbm>>
    tpu.wait_dma2 semaphore(%arg15 : memref<!tpu.dma_semaphore, #tpu.memory_space<semaphore_mem>>) src(%arg7 : memref<112x128xf32, #tpu.memory_space<vmem>>) dst(%dma_wait3A_51 : memref<112x128xf32, #tpu.memory_space<hbm>>)
    %dma_start3A_52 = arith.constant 4 : i32
    %dma_start3A_53 = arith.constant 0 : i32
    %dma_start3A_54 = tpu.memref_slice %arg5[%dma_start3A_52, %dma_start3A_53] : memref<28x112xi32, #tpu.memory_space<vmem>> -> memref<1x112xi32, #tpu.memory_space<vmem>>
    %dma_start3A_55 = tpu.memref_squeeze %dma_start3A_54 : memref<1x112xi32, #tpu.memory_space<vmem>> -> memref<112xi32, #tpu.memory_space<vmem>>
    %dma_start3A_56 = arith.constant 0 : i32
    %dma_start3A_57 = arith.constant 0 : i32
    %dma_start3A_58 = tpu.memref_slice %arg6[%dma_start3A_56, %dma_start3A_57] : memref<4736x128xf32, #tpu.memory_space<vmem_shared>> -> memref<4736x128xf32, #tpu.memory_space<vmem_shared>>
    tpu.enqueue_indirect_dma source(%dma_start3A_58 : memref<4736x128xf32, #tpu.memory_space<vmem_shared>>) target(%arg7 : memref<112x128xf32, #tpu.memory_space<vmem>>) offsets(%dma_start3A_55 : memref<112xi32, #tpu.memory_space<vmem>>) semaphore(%arg11 : memref<!tpu.dma_semaphore, #tpu.memory_space<semaphore_mem>>)
    %dma_wait3A_59 = arith.constant 1 : i32
    %dma_wait3A_60 = arith.constant 0 : i32
    %dma_wait3A_61 = tpu.memref_slice %arg5[%dma_wait3A_59, %dma_wait3A_60] : memref<28x112xi32, #tpu.memory_space<vmem>> -> memref<1x112xi32, #tpu.memory_space<vmem>>
    %dma_wait3A_62 = tpu.memref_squeeze %dma_wait3A_61 : memref<1x112xi32, #tpu.memory_space<vmem>> -> memref<112xi32, #tpu.memory_space<vmem>>
    %dma_wait3A_63 = arith.constant 0 : i32
    %dma_wait3A_64 = arith.constant 0 : i32
    %dma_wait3A_65 = tpu.memref_slice %arg6[%dma_wait3A_63, %dma_wait3A_64] : memref<4736x128xf32, #tpu.memory_space<vmem_shared>> -> memref<4736x128xf32, #tpu.memory_space<vmem_shared>>
    tpu.wait_indirect_dma semaphore(%arg12 : memref<!tpu.dma_semaphore, #tpu.memory_space<semaphore_mem>>) src(%dma_wait3A_65 : memref<4736x128xf32, #tpu.memory_space<vmem_shared>>) dst(%arg8 : memref<112x128xf32, #tpu.memory_space<vmem>>)
    %mul3A_66 = arith.constant 28 : i32
    %mul3A_67 = arith.muli %add3A, %mul3A_66 : i32
    %add3A_68 = arith.constant 1 : i32
    %add3A_69 = arith.addi %mul3A_67, %add3A_68 : i32
    %mul3A_70 = arith.constant 112 : i32
    %mul3A_71 = arith.muli %add3A_69, %mul3A_70 : i32
    %min3A_72 = arith.constant 99888 : i32
    %min3A_73 = arith.minsi %mul3A_71, %min3A_72 : i32
    %multiple_of3A_74 = tpu.assume_multiple %min3A_73, 8 : i32
    %dma_start3A_75 = arith.constant 0 : i32
    %dma_start3A_76 = tpu.memref_slice %arg4[%multiple_of3A_74, %dma_start3A_75] : memref<100000x128xf32, #tpu.memory_space<hbm>> -> memref<112x128xf32, #tpu.memory_space<hbm>>
    %dma_start3A_77 = arith.constant 0 : i32
    %dma_start3A_78 = tpu.memref_slice %arg4[%multiple_of3A_74, %dma_start3A_77] : memref<100000x128xf32, #tpu.memory_space<hbm>> -> memref<112x128xf32, #tpu.memory_space<hbm>>
    tpu.enqueue_dma source(%arg8 : memref<112x128xf32, #tpu.memory_space<vmem>>) target(%dma_start3A_78 : memref<112x128xf32, #tpu.memory_space<hbm>>) target_semaphore(%arg16 : memref<!tpu.dma_semaphore, #tpu.memory_space<semaphore_mem>>)
    %dma_wait3A_79 = arith.constant 0 : i32
    %dma_wait3A_80 = tpu.memref_slice %arg4[%multiple_of3A_74, %dma_wait3A_79] : memref<100000x128xf32, #tpu.memory_space<hbm>> -> memref<112x128xf32, #tpu.memory_space<hbm>>
    %dma_wait3A_81 = arith.constant 0 : i32
    %dma_wait3A_82 = tpu.memref_slice %arg4[%multiple_of3A_74, %dma_wait3A_81] : memref<100000x128xf32, #tpu.memory_space<hbm>> -> memref<112x128xf32, #tpu.memory_space<hbm>>
    tpu.wait_dma2 semaphore(%arg16 : memref<!tpu.dma_semaphore, #tpu.memory_space<semaphore_mem>>) src(%arg8 : memref<112x128xf32, #tpu.memory_space<vmem>>) dst(%dma_wait3A_82 : memref<112x128xf32, #tpu.memory_space<hbm>>)
    %dma_start3A_83 = arith.constant 5 : i32
    %dma_start3A_84 = arith.constant 0 : i32
    %dma_start3A_85 = tpu.memref_slice %arg5[%dma_start3A_83, %dma_start3A_84] : memref<28x112xi32, #tpu.memory_space<vmem>> -> memref<1x112xi32, #tpu.memory_space<vmem>>
    %dma_start3A_86 = tpu.memref_squeeze %dma_start3A_85 : memref<1x112xi32, #tpu.memory_space<vmem>> -> memref<112xi32, #tpu.memory_space<vmem>>
    %dma_start3A_87 = arith.constant 0 : i32
    %dma_start3A_88 = arith.constant 0 : i32
    %dma_start3A_89 = tpu.memref_slice %arg6[%dma_start3A_87, %dma_start3A_88] : memref<4736x128xf32, #tpu.memory_space<vmem_shared>> -> memref<4736x128xf32, #tpu.memory_space<vmem_shared>>
    tpu.enqueue_indirect_dma source(%dma_start3A_89 : memref<4736x128xf32, #tpu.memory_space<vmem_shared>>) target(%arg8 : memref<112x128xf32, #tpu.memory_space<vmem>>) offsets(%dma_start3A_86 : memref<112xi32, #tpu.memory_space<vmem>>) semaphore(%arg12 : memref<!tpu.dma_semaphore, #tpu.memory_space<semaphore_mem>>)
    %dma_wait3A_90 = arith.constant 2 : i32
    %dma_wait3A_91 = arith.constant 0 : i32
    %dma_wait3A_92 = tpu.memref_slice %arg5[%dma_wait3A_90, %dma_wait3A_91] : memref<28x112xi32, #tpu.memory_space<vmem>> -> memref<1x112xi32, #tpu.memory_space<vmem>>
    %dma_wait3A_93 = tpu.memref_squeeze %dma_wait3A_92 : memref<1x112xi32, #tpu.memory_space<vmem>> -> memref<112xi32, #tpu.memory_space<vmem>>
    %dma_wait3A_94 = arith.constant 0 : i32
    %dma_wait3A_95 = arith.constant 0 : i32
    %dma_wait3A_96 = tpu.memref_slice %arg6[%dma_wait3A_94, %dma_wait3A_95] : memref<4736x128xf32, #tpu.memory_space<vmem_shared>> -> memref<4736x128xf32, #tpu.memory_space<vmem_shared>>
    tpu.wait_indirect_dma semaphore(%arg13 : memref<!tpu.dma_semaphore, #tpu.memory_space<semaphore_mem>>) src(%dma_wait3A_96 : memref<4736x128xf32, #tpu.memory_space<vmem_shared>>) dst(%arg9 : memref<112x128xf32, #tpu.memory_space<vmem>>)
    %mul3A_97 = arith.constant 28 : i32
    %mul3A_98 = arith.muli %add3A, %mul3A_97 : i32
    %add3A_99 = arith.constant 2 : i32
    %add3A_100 = arith.addi %mul3A_98, %add3A_99 : i32
    %mul3A_101 = arith.constant 112 : i32
    %mul3A_102 = arith.muli %add3A_100, %mul3A_101 : i32
    %min3A_103 = arith.constant 99888 : i32
    %min3A_104 = arith.minsi %mul3A_102, %min3A_103 : i32
    %multiple_of3A_105 = tpu.assume_multiple %min3A_104, 8 : i32
    %dma_start3A_106 = arith.constant 0 : i32
    %dma_start3A_107 = tpu.memref_slice %arg4[%multiple_of3A_105, %dma_start3A_106] : memref<100000x128xf32, #tpu.memory_space<hbm>> -> memref<112x128xf32, #tpu.memory_space<hbm>>
    %dma_start3A_108 = arith.constant 0 : i32
    %dma_start3A_109 = tpu.memref_slice %arg4[%multiple_of3A_105, %dma_start3A_108] : memref<100000x128xf32, #tpu.memory_space<hbm>> -> memref<112x128xf32, #tpu.memory_space<hbm>>
    tpu.enqueue_dma source(%arg9 : memref<112x128xf32, #tpu.memory_space<vmem>>) target(%dma_start3A_109 : memref<112x128xf32, #tpu.memory_space<hbm>>) target_semaphore(%arg17 : memref<!tpu.dma_semaphore, #tpu.memory_space<semaphore_mem>>)
    %dma_wait3A_110 = arith.constant 0 : i32
    %dma_wait3A_111 = tpu.memref_slice %arg4[%multiple_of3A_105, %dma_wait3A_110] : memref<100000x128xf32, #tpu.memory_space<hbm>> -> memref<112x128xf32, #tpu.memory_space<hbm>>
    %dma_wait3A_112 = arith.constant 0 : i32
    %dma_wait3A_113 = tpu.memref_slice %arg4[%multiple_of3A_105, %dma_wait3A_112] : memref<100000x128xf32, #tpu.memory_space<hbm>> -> memref<112x128xf32, #tpu.memory_space<hbm>>
    tpu.wait_dma2 semaphore(%arg17 : memref<!tpu.dma_semaphore, #tpu.memory_space<semaphore_mem>>) src(%arg9 : memref<112x128xf32, #tpu.memory_space<vmem>>) dst(%dma_wait3A_113 : memref<112x128xf32, #tpu.memory_space<hbm>>)
    %dma_start3A_114 = arith.constant 6 : i32
    %dma_start3A_115 = arith.constant 0 : i32
    %dma_start3A_116 = tpu.memref_slice %arg5[%dma_start3A_114, %dma_start3A_115] : memref<28x112xi32, #tpu.memory_space<vmem>> -> memref<1x112xi32, #tpu.memory_space<vmem>>
    %dma_start3A_117 = tpu.memref_squeeze %dma_start3A_116 : memref<1x112xi32, #tpu.memory_space<vmem>> -> memref<112xi32, #tpu.memory_space<vmem>>
    %dma_start3A_118 = arith.constant 0 : i32
    %dma_start3A_119 = arith.constant 0 : i32
    %dma_start3A_120 = tpu.memref_slice %arg6[%dma_start3A_118, %dma_start3A_119] : memref<4736x128xf32, #tpu.memory_space<vmem_shared>> -> memref<4736x128xf32, #tpu.memory_space<vmem_shared>>
    tpu.enqueue_indirect_dma source(%dma_start3A_120 : memref<4736x128xf32, #tpu.memory_space<vmem_shared>>) target(%arg9 : memref<112x128xf32, #tpu.memory_space<vmem>>) offsets(%dma_start3A_117 : memref<112xi32, #tpu.memory_space<vmem>>) semaphore(%arg13 : memref<!tpu.dma_semaphore, #tpu.memory_space<semaphore_mem>>)
    %dma_wait3A_121 = arith.constant 3 : i32
    %dma_wait3A_122 = arith.constant 0 : i32
    %dma_wait3A_123 = tpu.memref_slice %arg5[%dma_wait3A_121, %dma_wait3A_122] : memref<28x112xi32, #tpu.memory_space<vmem>> -> memref<1x112xi32, #tpu.memory_space<vmem>>
    %dma_wait3A_124 = tpu.memref_squeeze %dma_wait3A_123 : memref<1x112xi32, #tpu.memory_space<vmem>> -> memref<112xi32, #tpu.memory_space<vmem>>
    %dma_wait3A_125 = arith.constant 0 : i32
    %dma_wait3A_126 = arith.constant 0 : i32
    %dma_wait3A_127 = tpu.memref_slice %arg6[%dma_wait3A_125, %dma_wait3A_126] : memref<4736x128xf32, #tpu.memory_space<vmem_shared>> -> memref<4736x128xf32, #tpu.memory_space<vmem_shared>>
    tpu.wait_indirect_dma semaphore(%arg14 : memref<!tpu.dma_semaphore, #tpu.memory_space<semaphore_mem>>) src(%dma_wait3A_127 : memref<4736x128xf32, #tpu.memory_space<vmem_shared>>) dst(%arg10 : memref<112x128xf32, #tpu.memory_space<vmem>>)
    %mul3A_128 = arith.constant 28 : i32
    %mul3A_129 = arith.muli %add3A, %mul3A_128 : i32
    %add3A_130 = arith.constant 3 : i32
    %add3A_131 = arith.addi %mul3A_129, %add3A_130 : i32
    %mul3A_132 = arith.constant 112 : i32
    %mul3A_133 = arith.muli %add3A_131, %mul3A_132 : i32
    %min3A_134 = arith.constant 99888 : i32
    %min3A_135 = arith.minsi %mul3A_133, %min3A_134 : i32
    %multiple_of3A_136 = tpu.assume_multiple %min3A_135, 8 : i32
    %dma_start3A_137 = arith.constant 0 : i32
    %dma_start3A_138 = tpu.memref_slice %arg4[%multiple_of3A_136, %dma_start3A_137] : memref<100000x128xf32, #tpu.memory_space<hbm>> -> memref<112x128xf32, #tpu.memory_space<hbm>>
    %dma_start3A_139 = arith.constant 0 : i32
    %dma_start3A_140 = tpu.memref_slice %arg4[%multiple_of3A_136, %dma_start3A_139] : memref<100000x128xf32, #tpu.memory_space<hbm>> -> memref<112x128xf32, #tpu.memory_space<hbm>>
    tpu.enqueue_dma source(%arg10 : memref<112x128xf32, #tpu.memory_space<vmem>>) target(%dma_start3A_140 : memref<112x128xf32, #tpu.memory_space<hbm>>) target_semaphore(%arg18 : memref<!tpu.dma_semaphore, #tpu.memory_space<semaphore_mem>>)
    %dma_wait3A_141 = arith.constant 0 : i32
    %dma_wait3A_142 = tpu.memref_slice %arg4[%multiple_of3A_136, %dma_wait3A_141] : memref<100000x128xf32, #tpu.memory_space<hbm>> -> memref<112x128xf32, #tpu.memory_space<hbm>>
    %dma_wait3A_143 = arith.constant 0 : i32
    %dma_wait3A_144 = tpu.memref_slice %arg4[%multiple_of3A_136, %dma_wait3A_143] : memref<100000x128xf32, #tpu.memory_space<hbm>> -> memref<112x128xf32, #tpu.memory_space<hbm>>
    tpu.wait_dma2 semaphore(%arg18 : memref<!tpu.dma_semaphore, #tpu.memory_space<semaphore_mem>>) src(%arg10 : memref<112x128xf32, #tpu.memory_space<vmem>>) dst(%dma_wait3A_144 : memref<112x128xf32, #tpu.memory_space<hbm>>)
    %dma_start3A_145 = arith.constant 7 : i32
    %dma_start3A_146 = arith.constant 0 : i32
    %dma_start3A_147 = tpu.memref_slice %arg5[%dma_start3A_145, %dma_start3A_146] : memref<28x112xi32, #tpu.memory_space<vmem>> -> memref<1x112xi32, #tpu.memory_space<vmem>>
    %dma_start3A_148 = tpu.memref_squeeze %dma_start3A_147 : memref<1x112xi32, #tpu.memory_space<vmem>> -> memref<112xi32, #tpu.memory_space<vmem>>
    %dma_start3A_149 = arith.constant 0 : i32
    %dma_start3A_150 = arith.constant 0 : i32
    %dma_start3A_151 = tpu.memref_slice %arg6[%dma_start3A_149, %dma_start3A_150] : memref<4736x128xf32, #tpu.memory_space<vmem_shared>> -> memref<4736x128xf32, #tpu.memory_space<vmem_shared>>
    tpu.enqueue_indirect_dma source(%dma_start3A_151 : memref<4736x128xf32, #tpu.memory_space<vmem_shared>>) target(%arg10 : memref<112x128xf32, #tpu.memory_space<vmem>>) offsets(%dma_start3A_148 : memref<112xi32, #tpu.memory_space<vmem>>) semaphore(%arg14 : memref<!tpu.dma_semaphore, #tpu.memory_space<semaphore_mem>>)
    %dma_wait3A_152 = arith.constant 4 : i32
    %dma_wait3A_153 = arith.constant 0 : i32
    %dma_wait3A_154 = tpu.memref_slice %arg5[%dma_wait3A_152, %dma_wait3A_153] : memref<28x112xi32, #tpu.memory_space<vmem>> -> memref<1x112xi32, #tpu.memory_space<vmem>>
    %dma_wait3A_155 = tpu.memref_squeeze %dma_wait3A_154 : memref<1x112xi32, #tpu.memory_space<vmem>> -> memref<112xi32, #tpu.memory_space<vmem>>
    %dma_wait3A_156 = arith.constant 0 : i32
    %dma_wait3A_157 = arith.constant 0 : i32
    %dma_wait3A_158 = tpu.memref_slice %arg6[%dma_wait3A_156, %dma_wait3A_157] : memref<4736x128xf32, #tpu.memory_space<vmem_shared>> -> memref<4736x128xf32, #tpu.memory_space<vmem_shared>>
    tpu.wait_indirect_dma semaphore(%arg11 : memref<!tpu.dma_semaphore, #tpu.memory_space<semaphore_mem>>) src(%dma_wait3A_158 : memref<4736x128xf32, #tpu.memory_space<vmem_shared>>) dst(%arg7 : memref<112x128xf32, #tpu.memory_space<vmem>>)
    %mul3A_159 = arith.constant 28 : i32
    %mul3A_160 = arith.muli %add3A, %mul3A_159 : i32
    %add3A_161 = arith.constant 4 : i32
    %add3A_162 = arith.addi %mul3A_160, %add3A_161 : i32
    %mul3A_163 = arith.constant 112 : i32
    %mul3A_164 = arith.muli %add3A_162, %mul3A_163 : i32
    %min3A_165 = arith.constant 99888 : i32
    %min3A_166 = arith.minsi %mul3A_164, %min3A_165 : i32
    %multiple_of3A_167 = tpu.assume_multiple %min3A_166, 8 : i32
    %dma_start3A_168 = arith.constant 0 : i32
    %dma_start3A_169 = tpu.memref_slice %arg4[%multiple_of3A_167, %dma_start3A_168] : memref<100000x128xf32, #tpu.memory_space<hbm>> -> memref<112x128xf32, #tpu.memory_space<hbm>>
    %dma_start3A_170 = arith.constant 0 : i32
    %dma_start3A_171 = tpu.memref_slice %arg4[%multiple_of3A_167, %dma_start3A_170] : memref<100000x128xf32, #tpu.memory_space<hbm>> -> memref<112x128xf32, #tpu.memory_space<hbm>>
    tpu.enqueue_dma source(%arg7 : memref<112x128xf32, #tpu.memory_space<vmem>>) target(%dma_start3A_171 : memref<112x128xf32, #tpu.memory_space<hbm>>) target_semaphore(%arg15 : memref<!tpu.dma_semaphore, #tpu.memory_space<semaphore_mem>>)
    %dma_wait3A_172 = arith.constant 0 : i32
    %dma_wait3A_173 = tpu.memref_slice %arg4[%multiple_of3A_167, %dma_wait3A_172] : memref<100000x128xf32, #tpu.memory_space<hbm>> -> memref<112x128xf32, #tpu.memory_space<hbm>>
    %dma_wait3A_174 = arith.constant 0 : i32
    %dma_wait3A_175 = tpu.memref_slice %arg4[%multiple_of3A_167, %dma_wait3A_174] : memref<100000x128xf32, #tpu.memory_space<hbm>> -> memref<112x128xf32, #tpu.memory_space<hbm>>
    tpu.wait_dma2 semaphore(%arg15 : memref<!tpu.dma_semaphore, #tpu.memory_space<semaphore_mem>>) src(%arg7 : memref<112x128xf32, #tpu.memory_space<vmem>>) dst(%dma_wait3A_175 : memref<112x128xf32, #tpu.memory_space<hbm>>)
    %dma_start3A_176 = arith.constant 8 : i32
    %dma_start3A_177 = arith.constant 0 : i32
    %dma_start3A_178 = tpu.memref_slice %arg5[%dma_start3A_176, %dma_start3A_177] : memref<28x112xi32, #tpu.memory_space<vmem>> -> memref<1x112xi32, #tpu.memory_space<vmem>>
    %dma_start3A_179 = tpu.memref_squeeze %dma_start3A_178 : memref<1x112xi32, #tpu.memory_space<vmem>> -> memref<112xi32, #tpu.memory_space<vmem>>
    %dma_start3A_180 = arith.constant 0 : i32
    %dma_start3A_181 = arith.constant 0 : i32
    %dma_start3A_182 = tpu.memref_slice %arg6[%dma_start3A_180, %dma_start3A_181] : memref<4736x128xf32, #tpu.memory_space<vmem_shared>> -> memref<4736x128xf32, #tpu.memory_space<vmem_shared>>
    tpu.enqueue_indirect_dma source(%dma_start3A_182 : memref<4736x128xf32, #tpu.memory_space<vmem_shared>>) target(%arg7 : memref<112x128xf32, #tpu.memory_space<vmem>>) offsets(%dma_start3A_179 : memref<112xi32, #tpu.memory_space<vmem>>) semaphore(%arg11 : memref<!tpu.dma_semaphore, #tpu.memory_space<semaphore_mem>>)
    %dma_wait3A_183 = arith.constant 5 : i32
    %dma_wait3A_184 = arith.constant 0 : i32
    %dma_wait3A_185 = tpu.memref_slice %arg5[%dma_wait3A_183, %dma_wait3A_184] : memref<28x112xi32, #tpu.memory_space<vmem>> -> memref<1x112xi32, #tpu.memory_space<vmem>>
    %dma_wait3A_186 = tpu.memref_squeeze %dma_wait3A_185 : memref<1x112xi32, #tpu.memory_space<vmem>> -> memref<112xi32, #tpu.memory_space<vmem>>
    %dma_wait3A_187 = arith.constant 0 : i32
    %dma_wait3A_188 = arith.constant 0 : i32
    %dma_wait3A_189 = tpu.memref_slice %arg6[%dma_wait3A_187, %dma_wait3A_188] : memref<4736x128xf32, #tpu.memory_space<vmem_shared>> -> memref<4736x128xf32, #tpu.memory_space<vmem_shared>>
    tpu.wait_indirect_dma semaphore(%arg12 : memref<!tpu.dma_semaphore, #tpu.memory_space<semaphore_mem>>) src(%dma_wait3A_189 : memref<4736x128xf32, #tpu.memory_space<vmem_shared>>) dst(%arg8 : memref<112x128xf32, #tpu.memory_space<vmem>>)
    %mul3A_190 = arith.constant 28 : i32
    %mul3A_191 = arith.muli %add3A, %mul3A_190 : i32
    %add3A_192 = arith.constant 5 : i32
    %add3A_193 = arith.addi %mul3A_191, %add3A_192 : i32
    %mul3A_194 = arith.constant 112 : i32
    %mul3A_195 = arith.muli %add3A_193, %mul3A_194 : i32
    %min3A_196 = arith.constant 99888 : i32
    %min3A_197 = arith.minsi %mul3A_195, %min3A_196 : i32
    %multiple_of3A_198 = tpu.assume_multiple %min3A_197, 8 : i32
    %dma_start3A_199 = arith.constant 0 : i32
    %dma_start3A_200 = tpu.memref_slice %arg4[%multiple_of3A_198, %dma_start3A_199] : memref<100000x128xf32, #tpu.memory_space<hbm>> -> memref<112x128xf32, #tpu.memory_space<hbm>>
    %dma_start3A_201 = arith.constant 0 : i32
    %dma_start3A_202 = tpu.memref_slice %arg4[%multiple_of3A_198, %dma_start3A_201] : memref<100000x128xf32, #tpu.memory_space<hbm>> -> memref<112x128xf32, #tpu.memory_space<hbm>>
    tpu.enqueue_dma source(%arg8 : memref<112x128xf32, #tpu.memory_space<vmem>>) target(%dma_start3A_202 : memref<112x128xf32, #tpu.memory_space<hbm>>) target_semaphore(%arg16 : memref<!tpu.dma_semaphore, #tpu.memory_space<semaphore_mem>>)
    %dma_wait3A_203 = arith.constant 0 : i32
    %dma_wait3A_204 = tpu.memref_slice %arg4[%multiple_of3A_198, %dma_wait3A_203] : memref<100000x128xf32, #tpu.memory_space<hbm>> -> memref<112x128xf32, #tpu.memory_space<hbm>>
    %dma_wait3A_205 = arith.constant 0 : i32
    %dma_wait3A_206 = tpu.memref_slice %arg4[%multiple_of3A_198, %dma_wait3A_205] : memref<100000x128xf32, #tpu.memory_space<hbm>> -> memref<112x128xf32, #tpu.memory_space<hbm>>
    tpu.wait_dma2 semaphore(%arg16 : memref<!tpu.dma_semaphore, #tpu.memory_space<semaphore_mem>>) src(%arg8 : memref<112x128xf32, #tpu.memory_space<vmem>>) dst(%dma_wait3A_206 : memref<112x128xf32, #tpu.memory_space<hbm>>)
    %dma_start3A_207 = arith.constant 9 : i32
    %dma_start3A_208 = arith.constant 0 : i32
    %dma_start3A_209 = tpu.memref_slice %arg5[%dma_start3A_207, %dma_start3A_208] : memref<28x112xi32, #tpu.memory_space<vmem>> -> memref<1x112xi32, #tpu.memory_space<vmem>>
    %dma_start3A_210 = tpu.memref_squeeze %dma_start3A_209 : memref<1x112xi32, #tpu.memory_space<vmem>> -> memref<112xi32, #tpu.memory_space<vmem>>
    %dma_start3A_211 = arith.constant 0 : i32
    %dma_start3A_212 = arith.constant 0 : i32
    %dma_start3A_213 = tpu.memref_slice %arg6[%dma_start3A_211, %dma_start3A_212] : memref<4736x128xf32, #tpu.memory_space<vmem_shared>> -> memref<4736x128xf32, #tpu.memory_space<vmem_shared>>
    tpu.enqueue_indirect_dma source(%dma_start3A_213 : memref<4736x128xf32, #tpu.memory_space<vmem_shared>>) target(%arg8 : memref<112x128xf32, #tpu.memory_space<vmem>>) offsets(%dma_start3A_210 : memref<112xi32, #tpu.memory_space<vmem>>) semaphore(%arg12 : memref<!tpu.dma_semaphore, #tpu.memory_space<semaphore_mem>>)
    %dma_wait3A_214 = arith.constant 6 : i32
    %dma_wait3A_215 = arith.constant 0 : i32
    %dma_wait3A_216 = tpu.memref_slice %arg5[%dma_wait3A_214, %dma_wait3A_215] : memref<28x112xi32, #tpu.memory_space<vmem>> -> memref<1x112xi32, #tpu.memory_space<vmem>>
    %dma_wait3A_217 = tpu.memref_squeeze %dma_wait3A_216 : memref<1x112xi32, #tpu.memory_space<vmem>> -> memref<112xi32, #tpu.memory_space<vmem>>
    %dma_wait3A_218 = arith.constant 0 : i32
    %dma_wait3A_219 = arith.constant 0 : i32
    %dma_wait3A_220 = tpu.memref_slice %arg6[%dma_wait3A_218, %dma_wait3A_219] : memref<4736x128xf32, #tpu.memory_space<vmem_shared>> -> memref<4736x128xf32, #tpu.memory_space<vmem_shared>>
    tpu.wait_indirect_dma semaphore(%arg13 : memref<!tpu.dma_semaphore, #tpu.memory_space<semaphore_mem>>) src(%dma_wait3A_220 : memref<4736x128xf32, #tpu.memory_space<vmem_shared>>) dst(%arg9 : memref<112x128xf32, #tpu.memory_space<vmem>>)
    %mul3A_221 = arith.constant 28 : i32
    %mul3A_222 = arith.muli %add3A, %mul3A_221 : i32
    %add3A_223 = arith.constant 6 : i32
    %add3A_224 = arith.addi %mul3A_222, %add3A_223 : i32
    %mul3A_225 = arith.constant 112 : i32
    %mul3A_226 = arith.muli %add3A_224, %mul3A_225 : i32
    %min3A_227 = arith.constant 99888 : i32
    %min3A_228 = arith.minsi %mul3A_226, %min3A_227 : i32
    %multiple_of3A_229 = tpu.assume_multiple %min3A_228, 8 : i32
    %dma_start3A_230 = arith.constant 0 : i32
    %dma_start3A_231 = tpu.memref_slice %arg4[%multiple_of3A_229, %dma_start3A_230] : memref<100000x128xf32, #tpu.memory_space<hbm>> -> memref<112x128xf32, #tpu.memory_space<hbm>>
    %dma_start3A_232 = arith.constant 0 : i32
    %dma_start3A_233 = tpu.memref_slice %arg4[%multiple_of3A_229, %dma_start3A_232] : memref<100000x128xf32, #tpu.memory_space<hbm>> -> memref<112x128xf32, #tpu.memory_space<hbm>>
    tpu.enqueue_dma source(%arg9 : memref<112x128xf32, #tpu.memory_space<vmem>>) target(%dma_start3A_233 : memref<112x128xf32, #tpu.memory_space<hbm>>) target_semaphore(%arg17 : memref<!tpu.dma_semaphore, #tpu.memory_space<semaphore_mem>>)
    %dma_wait3A_234 = arith.constant 0 : i32
    %dma_wait3A_235 = tpu.memref_slice %arg4[%multiple_of3A_229, %dma_wait3A_234] : memref<100000x128xf32, #tpu.memory_space<hbm>> -> memref<112x128xf32, #tpu.memory_space<hbm>>
    %dma_wait3A_236 = arith.constant 0 : i32
    %dma_wait3A_237 = tpu.memref_slice %arg4[%multiple_of3A_229, %dma_wait3A_236] : memref<100000x128xf32, #tpu.memory_space<hbm>> -> memref<112x128xf32, #tpu.memory_space<hbm>>
    tpu.wait_dma2 semaphore(%arg17 : memref<!tpu.dma_semaphore, #tpu.memory_space<semaphore_mem>>) src(%arg9 : memref<112x128xf32, #tpu.memory_space<vmem>>) dst(%dma_wait3A_237 : memref<112x128xf32, #tpu.memory_space<hbm>>)
    %dma_start3A_238 = arith.constant 10 : i32
    %dma_start3A_239 = arith.constant 0 : i32
    %dma_start3A_240 = tpu.memref_slice %arg5[%dma_start3A_238, %dma_start3A_239] : memref<28x112xi32, #tpu.memory_space<vmem>> -> memref<1x112xi32, #tpu.memory_space<vmem>>
    %dma_start3A_241 = tpu.memref_squeeze %dma_start3A_240 : memref<1x112xi32, #tpu.memory_space<vmem>> -> memref<112xi32, #tpu.memory_space<vmem>>
    %dma_start3A_242 = arith.constant 0 : i32
    %dma_start3A_243 = arith.constant 0 : i32
    %dma_start3A_244 = tpu.memref_slice %arg6[%dma_start3A_242, %dma_start3A_243] : memref<4736x128xf32, #tpu.memory_space<vmem_shared>> -> memref<4736x128xf32, #tpu.memory_space<vmem_shared>>
    tpu.enqueue_indirect_dma source(%dma_start3A_244 : memref<4736x128xf32, #tpu.memory_space<vmem_shared>>) target(%arg9 : memref<112x128xf32, #tpu.memory_space<vmem>>) offsets(%dma_start3A_241 : memref<112xi32, #tpu.memory_space<vmem>>) semaphore(%arg13 : memref<!tpu.dma_semaphore, #tpu.memory_space<semaphore_mem>>)
    %dma_wait3A_245 = arith.constant 7 : i32
    %dma_wait3A_246 = arith.constant 0 : i32
    %dma_wait3A_247 = tpu.memref_slice %arg5[%dma_wait3A_245, %dma_wait3A_246] : memref<28x112xi32, #tpu.memory_space<vmem>> -> memref<1x112xi32, #tpu.memory_space<vmem>>
    %dma_wait3A_248 = tpu.memref_squeeze %dma_wait3A_247 : memref<1x112xi32, #tpu.memory_space<vmem>> -> memref<112xi32, #tpu.memory_space<vmem>>
    %dma_wait3A_249 = arith.constant 0 : i32
    %dma_wait3A_250 = arith.constant 0 : i32
    %dma_wait3A_251 = tpu.memref_slice %arg6[%dma_wait3A_249, %dma_wait3A_250] : memref<4736x128xf32, #tpu.memory_space<vmem_shared>> -> memref<4736x128xf32, #tpu.memory_space<vmem_shared>>
    tpu.wait_indirect_dma semaphore(%arg14 : memref<!tpu.dma_semaphore, #tpu.memory_space<semaphore_mem>>) src(%dma_wait3A_251 : memref<4736x128xf32, #tpu.memory_space<vmem_shared>>) dst(%arg10 : memref<112x128xf32, #tpu.memory_space<vmem>>)
    %mul3A_252 = arith.constant 28 : i32
    %mul3A_253 = arith.muli %add3A, %mul3A_252 : i32
    %add3A_254 = arith.constant 7 : i32
    %add3A_255 = arith.addi %mul3A_253, %add3A_254 : i32
    %mul3A_256 = arith.constant 112 : i32
    %mul3A_257 = arith.muli %add3A_255, %mul3A_256 : i32
    %min3A_258 = arith.constant 99888 : i32
    %min3A_259 = arith.minsi %mul3A_257, %min3A_258 : i32
    %multiple_of3A_260 = tpu.assume_multiple %min3A_259, 8 : i32
    %dma_start3A_261 = arith.constant 0 : i32
    %dma_start3A_262 = tpu.memref_slice %arg4[%multiple_of3A_260, %dma_start3A_261] : memref<100000x128xf32, #tpu.memory_space<hbm>> -> memref<112x128xf32, #tpu.memory_space<hbm>>
    %dma_start3A_263 = arith.constant 0 : i32
    %dma_start3A_264 = tpu.memref_slice %arg4[%multiple_of3A_260, %dma_start3A_263] : memref<100000x128xf32, #tpu.memory_space<hbm>> -> memref<112x128xf32, #tpu.memory_space<hbm>>
    tpu.enqueue_dma source(%arg10 : memref<112x128xf32, #tpu.memory_space<vmem>>) target(%dma_start3A_264 : memref<112x128xf32, #tpu.memory_space<hbm>>) target_semaphore(%arg18 : memref<!tpu.dma_semaphore, #tpu.memory_space<semaphore_mem>>)
    %dma_wait3A_265 = arith.constant 0 : i32
    %dma_wait3A_266 = tpu.memref_slice %arg4[%multiple_of3A_260, %dma_wait3A_265] : memref<100000x128xf32, #tpu.memory_space<hbm>> -> memref<112x128xf32, #tpu.memory_space<hbm>>
    %dma_wait3A_267 = arith.constant 0 : i32
    %dma_wait3A_268 = tpu.memref_slice %arg4[%multiple_of3A_260, %dma_wait3A_267] : memref<100000x128xf32, #tpu.memory_space<hbm>> -> memref<112x128xf32, #tpu.memory_space<hbm>>
    tpu.wait_dma2 semaphore(%arg18 : memref<!tpu.dma_semaphore, #tpu.memory_space<semaphore_mem>>) src(%arg10 : memref<112x128xf32, #tpu.memory_space<vmem>>) dst(%dma_wait3A_268 : memref<112x128xf32, #tpu.memory_space<hbm>>)
    %dma_start3A_269 = arith.constant 11 : i32
    %dma_start3A_270 = arith.constant 0 : i32
    %dma_start3A_271 = tpu.memref_slice %arg5[%dma_start3A_269, %dma_start3A_270] : memref<28x112xi32, #tpu.memory_space<vmem>> -> memref<1x112xi32, #tpu.memory_space<vmem>>
    %dma_start3A_272 = tpu.memref_squeeze %dma_start3A_271 : memref<1x112xi32, #tpu.memory_space<vmem>> -> memref<112xi32, #tpu.memory_space<vmem>>
    %dma_start3A_273 = arith.constant 0 : i32
    %dma_start3A_274 = arith.constant 0 : i32
    %dma_start3A_275 = tpu.memref_slice %arg6[%dma_start3A_273, %dma_start3A_274] : memref<4736x128xf32, #tpu.memory_space<vmem_shared>> -> memref<4736x128xf32, #tpu.memory_space<vmem_shared>>
    tpu.enqueue_indirect_dma source(%dma_start3A_275 : memref<4736x128xf32, #tpu.memory_space<vmem_shared>>) target(%arg10 : memref<112x128xf32, #tpu.memory_space<vmem>>) offsets(%dma_start3A_272 : memref<112xi32, #tpu.memory_space<vmem>>) semaphore(%arg14 : memref<!tpu.dma_semaphore, #tpu.memory_space<semaphore_mem>>)
    %dma_wait3A_276 = arith.constant 8 : i32
    %dma_wait3A_277 = arith.constant 0 : i32
    %dma_wait3A_278 = tpu.memref_slice %arg5[%dma_wait3A_276, %dma_wait3A_277] : memref<28x112xi32, #tpu.memory_space<vmem>> -> memref<1x112xi32, #tpu.memory_space<vmem>>
    %dma_wait3A_279 = tpu.memref_squeeze %dma_wait3A_278 : memref<1x112xi32, #tpu.memory_space<vmem>> -> memref<112xi32, #tpu.memory_space<vmem>>
    %dma_wait3A_280 = arith.constant 0 : i32
    %dma_wait3A_281 = arith.constant 0 : i32
    %dma_wait3A_282 = tpu.memref_slice %arg6[%dma_wait3A_280, %dma_wait3A_281] : memref<4736x128xf32, #tpu.memory_space<vmem_shared>> -> memref<4736x128xf32, #tpu.memory_space<vmem_shared>>
    tpu.wait_indirect_dma semaphore(%arg11 : memref<!tpu.dma_semaphore, #tpu.memory_space<semaphore_mem>>) src(%dma_wait3A_282 : memref<4736x128xf32, #tpu.memory_space<vmem_shared>>) dst(%arg7 : memref<112x128xf32, #tpu.memory_space<vmem>>)
    %mul3A_283 = arith.constant 28 : i32
    %mul3A_284 = arith.muli %add3A, %mul3A_283 : i32
    %add3A_285 = arith.constant 8 : i32
    %add3A_286 = arith.addi %mul3A_284, %add3A_285 : i32
    %mul3A_287 = arith.constant 112 : i32
    %mul3A_288 = arith.muli %add3A_286, %mul3A_287 : i32
    %min3A_289 = arith.constant 99888 : i32
    %min3A_290 = arith.minsi %mul3A_288, %min3A_289 : i32
    %multiple_of3A_291 = tpu.assume_multiple %min3A_290, 8 : i32
    %dma_start3A_292 = arith.constant 0 : i32
    %dma_start3A_293 = tpu.memref_slice %arg4[%multiple_of3A_291, %dma_start3A_292] : memref<100000x128xf32, #tpu.memory_space<hbm>> -> memref<112x128xf32, #tpu.memory_space<hbm>>
    %dma_start3A_294 = arith.constant 0 : i32
    %dma_start3A_295 = tpu.memref_slice %arg4[%multiple_of3A_291, %dma_start3A_294] : memref<100000x128xf32, #tpu.memory_space<hbm>> -> memref<112x128xf32, #tpu.memory_space<hbm>>
    tpu.enqueue_dma source(%arg7 : memref<112x128xf32, #tpu.memory_space<vmem>>) target(%dma_start3A_295 : memref<112x128xf32, #tpu.memory_space<hbm>>) target_semaphore(%arg15 : memref<!tpu.dma_semaphore, #tpu.memory_space<semaphore_mem>>)
    %dma_wait3A_296 = arith.constant 0 : i32
    %dma_wait3A_297 = tpu.memref_slice %arg4[%multiple_of3A_291, %dma_wait3A_296] : memref<100000x128xf32, #tpu.memory_space<hbm>> -> memref<112x128xf32, #tpu.memory_space<hbm>>
    %dma_wait3A_298 = arith.constant 0 : i32
    %dma_wait3A_299 = tpu.memref_slice %arg4[%multiple_of3A_291, %dma_wait3A_298] : memref<100000x128xf32, #tpu.memory_space<hbm>> -> memref<112x128xf32, #tpu.memory_space<hbm>>
    tpu.wait_dma2 semaphore(%arg15 : memref<!tpu.dma_semaphore, #tpu.memory_space<semaphore_mem>>) src(%arg7 : memref<112x128xf32, #tpu.memory_space<vmem>>) dst(%dma_wait3A_299 : memref<112x128xf32, #tpu.memory_space<hbm>>)
    %dma_start3A_300 = arith.constant 12 : i32
    %dma_start3A_301 = arith.constant 0 : i32
    %dma_start3A_302 = tpu.memref_slice %arg5[%dma_start3A_300, %dma_start3A_301] : memref<28x112xi32, #tpu.memory_space<vmem>> -> memref<1x112xi32, #tpu.memory_space<vmem>>
    %dma_start3A_303 = tpu.memref_squeeze %dma_start3A_302 : memref<1x112xi32, #tpu.memory_space<vmem>> -> memref<112xi32, #tpu.memory_space<vmem>>
    %dma_start3A_304 = arith.constant 0 : i32
    %dma_start3A_305 = arith.constant 0 : i32
    %dma_start3A_306 = tpu.memref_slice %arg6[%dma_start3A_304, %dma_start3A_305] : memref<4736x128xf32, #tpu.memory_space<vmem_shared>> -> memref<4736x128xf32, #tpu.memory_space<vmem_shared>>
    tpu.enqueue_indirect_dma source(%dma_start3A_306 : memref<4736x128xf32, #tpu.memory_space<vmem_shared>>) target(%arg7 : memref<112x128xf32, #tpu.memory_space<vmem>>) offsets(%dma_start3A_303 : memref<112xi32, #tpu.memory_space<vmem>>) semaphore(%arg11 : memref<!tpu.dma_semaphore, #tpu.memory_space<semaphore_mem>>)
    %dma_wait3A_307 = arith.constant 9 : i32
    %dma_wait3A_308 = arith.constant 0 : i32
    %dma_wait3A_309 = tpu.memref_slice %arg5[%dma_wait3A_307, %dma_wait3A_308] : memref<28x112xi32, #tpu.memory_space<vmem>> -> memref<1x112xi32, #tpu.memory_space<vmem>>
    %dma_wait3A_310 = tpu.memref_squeeze %dma_wait3A_309 : memref<1x112xi32, #tpu.memory_space<vmem>> -> memref<112xi32, #tpu.memory_space<vmem>>
    %dma_wait3A_311 = arith.constant 0 : i32
    %dma_wait3A_312 = arith.constant 0 : i32
    %dma_wait3A_313 = tpu.memref_slice %arg6[%dma_wait3A_311, %dma_wait3A_312] : memref<4736x128xf32, #tpu.memory_space<vmem_shared>> -> memref<4736x128xf32, #tpu.memory_space<vmem_shared>>
    tpu.wait_indirect_dma semaphore(%arg12 : memref<!tpu.dma_semaphore, #tpu.memory_space<semaphore_mem>>) src(%dma_wait3A_313 : memref<4736x128xf32, #tpu.memory_space<vmem_shared>>) dst(%arg8 : memref<112x128xf32, #tpu.memory_space<vmem>>)
    %mul3A_314 = arith.constant 28 : i32
    %mul3A_315 = arith.muli %add3A, %mul3A_314 : i32
    %add3A_316 = arith.constant 9 : i32
    %add3A_317 = arith.addi %mul3A_315, %add3A_316 : i32
    %mul3A_318 = arith.constant 112 : i32
    %mul3A_319 = arith.muli %add3A_317, %mul3A_318 : i32
    %min3A_320 = arith.constant 99888 : i32
    %min3A_321 = arith.minsi %mul3A_319, %min3A_320 : i32
    %multiple_of3A_322 = tpu.assume_multiple %min3A_321, 8 : i32
    %dma_start3A_323 = arith.constant 0 : i32
    %dma_start3A_324 = tpu.memref_slice %arg4[%multiple_of3A_322, %dma_start3A_323] : memref<100000x128xf32, #tpu.memory_space<hbm>> -> memref<112x128xf32, #tpu.memory_space<hbm>>
    %dma_start3A_325 = arith.constant 0 : i32
    %dma_start3A_326 = tpu.memref_slice %arg4[%multiple_of3A_322, %dma_start3A_325] : memref<100000x128xf32, #tpu.memory_space<hbm>> -> memref<112x128xf32, #tpu.memory_space<hbm>>
    tpu.enqueue_dma source(%arg8 : memref<112x128xf32, #tpu.memory_space<vmem>>) target(%dma_start3A_326 : memref<112x128xf32, #tpu.memory_space<hbm>>) target_semaphore(%arg16 : memref<!tpu.dma_semaphore, #tpu.memory_space<semaphore_mem>>)
    %dma_wait3A_327 = arith.constant 0 : i32
    %dma_wait3A_328 = tpu.memref_slice %arg4[%multiple_of3A_322, %dma_wait3A_327] : memref<100000x128xf32, #tpu.memory_space<hbm>> -> memref<112x128xf32, #tpu.memory_space<hbm>>
    %dma_wait3A_329 = arith.constant 0 : i32
    %dma_wait3A_330 = tpu.memref_slice %arg4[%multiple_of3A_322, %dma_wait3A_329] : memref<100000x128xf32, #tpu.memory_space<hbm>> -> memref<112x128xf32, #tpu.memory_space<hbm>>
    tpu.wait_dma2 semaphore(%arg16 : memref<!tpu.dma_semaphore, #tpu.memory_space<semaphore_mem>>) src(%arg8 : memref<112x128xf32, #tpu.memory_space<vmem>>) dst(%dma_wait3A_330 : memref<112x128xf32, #tpu.memory_space<hbm>>)
    %dma_start3A_331 = arith.constant 13 : i32
    %dma_start3A_332 = arith.constant 0 : i32
    %dma_start3A_333 = tpu.memref_slice %arg5[%dma_start3A_331, %dma_start3A_332] : memref<28x112xi32, #tpu.memory_space<vmem>> -> memref<1x112xi32, #tpu.memory_space<vmem>>
    %dma_start3A_334 = tpu.memref_squeeze %dma_start3A_333 : memref<1x112xi32, #tpu.memory_space<vmem>> -> memref<112xi32, #tpu.memory_space<vmem>>
    %dma_start3A_335 = arith.constant 0 : i32
    %dma_start3A_336 = arith.constant 0 : i32
    %dma_start3A_337 = tpu.memref_slice %arg6[%dma_start3A_335, %dma_start3A_336] : memref<4736x128xf32, #tpu.memory_space<vmem_shared>> -> memref<4736x128xf32, #tpu.memory_space<vmem_shared>>
    tpu.enqueue_indirect_dma source(%dma_start3A_337 : memref<4736x128xf32, #tpu.memory_space<vmem_shared>>) target(%arg8 : memref<112x128xf32, #tpu.memory_space<vmem>>) offsets(%dma_start3A_334 : memref<112xi32, #tpu.memory_space<vmem>>) semaphore(%arg12 : memref<!tpu.dma_semaphore, #tpu.memory_space<semaphore_mem>>)
    %dma_wait3A_338 = arith.constant 10 : i32
    %dma_wait3A_339 = arith.constant 0 : i32
    %dma_wait3A_340 = tpu.memref_slice %arg5[%dma_wait3A_338, %dma_wait3A_339] : memref<28x112xi32, #tpu.memory_space<vmem>> -> memref<1x112xi32, #tpu.memory_space<vmem>>
    %dma_wait3A_341 = tpu.memref_squeeze %dma_wait3A_340 : memref<1x112xi32, #tpu.memory_space<vmem>> -> memref<112xi32, #tpu.memory_space<vmem>>
    %dma_wait3A_342 = arith.constant 0 : i32
    %dma_wait3A_343 = arith.constant 0 : i32
    %dma_wait3A_344 = tpu.memref_slice %arg6[%dma_wait3A_342, %dma_wait3A_343] : memref<4736x128xf32, #tpu.memory_space<vmem_shared>> -> memref<4736x128xf32, #tpu.memory_space<vmem_shared>>
    tpu.wait_indirect_dma semaphore(%arg13 : memref<!tpu.dma_semaphore, #tpu.memory_space<semaphore_mem>>) src(%dma_wait3A_344 : memref<4736x128xf32, #tpu.memory_space<vmem_shared>>) dst(%arg9 : memref<112x128xf32, #tpu.memory_space<vmem>>)
    %mul3A_345 = arith.constant 28 : i32
    %mul3A_346 = arith.muli %add3A, %mul3A_345 : i32
    %add3A_347 = arith.constant 10 : i32
    %add3A_348 = arith.addi %mul3A_346, %add3A_347 : i32
    %mul3A_349 = arith.constant 112 : i32
    %mul3A_350 = arith.muli %add3A_348, %mul3A_349 : i32
    %min3A_351 = arith.constant 99888 : i32
    %min3A_352 = arith.minsi %mul3A_350, %min3A_351 : i32
    %multiple_of3A_353 = tpu.assume_multiple %min3A_352, 8 : i32
    %dma_start3A_354 = arith.constant 0 : i32
    %dma_start3A_355 = tpu.memref_slice %arg4[%multiple_of3A_353, %dma_start3A_354] : memref<100000x128xf32, #tpu.memory_space<hbm>> -> memref<112x128xf32, #tpu.memory_space<hbm>>
    %dma_start3A_356 = arith.constant 0 : i32
    %dma_start3A_357 = tpu.memref_slice %arg4[%multiple_of3A_353, %dma_start3A_356] : memref<100000x128xf32, #tpu.memory_space<hbm>> -> memref<112x128xf32, #tpu.memory_space<hbm>>
    tpu.enqueue_dma source(%arg9 : memref<112x128xf32, #tpu.memory_space<vmem>>) target(%dma_start3A_357 : memref<112x128xf32, #tpu.memory_space<hbm>>) target_semaphore(%arg17 : memref<!tpu.dma_semaphore, #tpu.memory_space<semaphore_mem>>)
    %dma_wait3A_358 = arith.constant 0 : i32
    %dma_wait3A_359 = tpu.memref_slice %arg4[%multiple_of3A_353, %dma_wait3A_358] : memref<100000x128xf32, #tpu.memory_space<hbm>> -> memref<112x128xf32, #tpu.memory_space<hbm>>
    %dma_wait3A_360 = arith.constant 0 : i32
    %dma_wait3A_361 = tpu.memref_slice %arg4[%multiple_of3A_353, %dma_wait3A_360] : memref<100000x128xf32, #tpu.memory_space<hbm>> -> memref<112x128xf32, #tpu.memory_space<hbm>>
    tpu.wait_dma2 semaphore(%arg17 : memref<!tpu.dma_semaphore, #tpu.memory_space<semaphore_mem>>) src(%arg9 : memref<112x128xf32, #tpu.memory_space<vmem>>) dst(%dma_wait3A_361 : memref<112x128xf32, #tpu.memory_space<hbm>>)
    %dma_start3A_362 = arith.constant 14 : i32
    %dma_start3A_363 = arith.constant 0 : i32
    %dma_start3A_364 = tpu.memref_slice %arg5[%dma_start3A_362, %dma_start3A_363] : memref<28x112xi32, #tpu.memory_space<vmem>> -> memref<1x112xi32, #tpu.memory_space<vmem>>
    %dma_start3A_365 = tpu.memref_squeeze %dma_start3A_364 : memref<1x112xi32, #tpu.memory_space<vmem>> -> memref<112xi32, #tpu.memory_space<vmem>>
    %dma_start3A_366 = arith.constant 0 : i32
    %dma_start3A_367 = arith.constant 0 : i32
    %dma_start3A_368 = tpu.memref_slice %arg6[%dma_start3A_366, %dma_start3A_367] : memref<4736x128xf32, #tpu.memory_space<vmem_shared>> -> memref<4736x128xf32, #tpu.memory_space<vmem_shared>>
    tpu.enqueue_indirect_dma source(%dma_start3A_368 : memref<4736x128xf32, #tpu.memory_space<vmem_shared>>) target(%arg9 : memref<112x128xf32, #tpu.memory_space<vmem>>) offsets(%dma_start3A_365 : memref<112xi32, #tpu.memory_space<vmem>>) semaphore(%arg13 : memref<!tpu.dma_semaphore, #tpu.memory_space<semaphore_mem>>)
    %dma_wait3A_369 = arith.constant 11 : i32
    %dma_wait3A_370 = arith.constant 0 : i32
    %dma_wait3A_371 = tpu.memref_slice %arg5[%dma_wait3A_369, %dma_wait3A_370] : memref<28x112xi32, #tpu.memory_space<vmem>> -> memref<1x112xi32, #tpu.memory_space<vmem>>
    %dma_wait3A_372 = tpu.memref_squeeze %dma_wait3A_371 : memref<1x112xi32, #tpu.memory_space<vmem>> -> memref<112xi32, #tpu.memory_space<vmem>>
    %dma_wait3A_373 = arith.constant 0 : i32
    %dma_wait3A_374 = arith.constant 0 : i32
    %dma_wait3A_375 = tpu.memref_slice %arg6[%dma_wait3A_373, %dma_wait3A_374] : memref<4736x128xf32, #tpu.memory_space<vmem_shared>> -> memref<4736x128xf32, #tpu.memory_space<vmem_shared>>
    tpu.wait_indirect_dma semaphore(%arg14 : memref<!tpu.dma_semaphore, #tpu.memory_space<semaphore_mem>>) src(%dma_wait3A_375 : memref<4736x128xf32, #tpu.memory_space<vmem_shared>>) dst(%arg10 : memref<112x128xf32, #tpu.memory_space<vmem>>)
    %mul3A_376 = arith.constant 28 : i32
    %mul3A_377 = arith.muli %add3A, %mul3A_376 : i32
    %add3A_378 = arith.constant 11 : i32
    %add3A_379 = arith.addi %mul3A_377, %add3A_378 : i32
    %mul3A_380 = arith.constant 112 : i32
    %mul3A_381 = arith.muli %add3A_379, %mul3A_380 : i32
    %min3A_382 = arith.constant 99888 : i32
    %min3A_383 = arith.minsi %mul3A_381, %min3A_382 : i32
    %multiple_of3A_384 = tpu.assume_multiple %min3A_383, 8 : i32
    %dma_start3A_385 = arith.constant 0 : i32
    %dma_start3A_386 = tpu.memref_slice %arg4[%multiple_of3A_384, %dma_start3A_385] : memref<100000x128xf32, #tpu.memory_space<hbm>> -> memref<112x128xf32, #tpu.memory_space<hbm>>
    %dma_start3A_387 = arith.constant 0 : i32
    %dma_start3A_388 = tpu.memref_slice %arg4[%multiple_of3A_384, %dma_start3A_387] : memref<100000x128xf32, #tpu.memory_space<hbm>> -> memref<112x128xf32, #tpu.memory_space<hbm>>
    tpu.enqueue_dma source(%arg10 : memref<112x128xf32, #tpu.memory_space<vmem>>) target(%dma_start3A_388 : memref<112x128xf32, #tpu.memory_space<hbm>>) target_semaphore(%arg18 : memref<!tpu.dma_semaphore, #tpu.memory_space<semaphore_mem>>)
    %dma_wait3A_389 = arith.constant 0 : i32
    %dma_wait3A_390 = tpu.memref_slice %arg4[%multiple_of3A_384, %dma_wait3A_389] : memref<100000x128xf32, #tpu.memory_space<hbm>> -> memref<112x128xf32, #tpu.memory_space<hbm>>
    %dma_wait3A_391 = arith.constant 0 : i32
    %dma_wait3A_392 = tpu.memref_slice %arg4[%multiple_of3A_384, %dma_wait3A_391] : memref<100000x128xf32, #tpu.memory_space<hbm>> -> memref<112x128xf32, #tpu.memory_space<hbm>>
    tpu.wait_dma2 semaphore(%arg18 : memref<!tpu.dma_semaphore, #tpu.memory_space<semaphore_mem>>) src(%arg10 : memref<112x128xf32, #tpu.memory_space<vmem>>) dst(%dma_wait3A_392 : memref<112x128xf32, #tpu.memory_space<hbm>>)
    %dma_start3A_393 = arith.constant 15 : i32
    %dma_start3A_394 = arith.constant 0 : i32
    %dma_start3A_395 = tpu.memref_slice %arg5[%dma_start3A_393, %dma_start3A_394] : memref<28x112xi32, #tpu.memory_space<vmem>> -> memref<1x112xi32, #tpu.memory_space<vmem>>
    %dma_start3A_396 = tpu.memref_squeeze %dma_start3A_395 : memref<1x112xi32, #tpu.memory_space<vmem>> -> memref<112xi32, #tpu.memory_space<vmem>>
    %dma_start3A_397 = arith.constant 0 : i32
    %dma_start3A_398 = arith.constant 0 : i32
    %dma_start3A_399 = tpu.memref_slice %arg6[%dma_start3A_397, %dma_start3A_398] : memref<4736x128xf32, #tpu.memory_space<vmem_shared>> -> memref<4736x128xf32, #tpu.memory_space<vmem_shared>>
    tpu.enqueue_indirect_dma source(%dma_start3A_399 : memref<4736x128xf32, #tpu.memory_space<vmem_shared>>) target(%arg10 : memref<112x128xf32, #tpu.memory_space<vmem>>) offsets(%dma_start3A_396 : memref<112xi32, #tpu.memory_space<vmem>>) semaphore(%arg14 : memref<!tpu.dma_semaphore, #tpu.memory_space<semaphore_mem>>)
    %dma_wait3A_400 = arith.constant 12 : i32
    %dma_wait3A_401 = arith.constant 0 : i32
    %dma_wait3A_402 = tpu.memref_slice %arg5[%dma_wait3A_400, %dma_wait3A_401] : memref<28x112xi32, #tpu.memory_space<vmem>> -> memref<1x112xi32, #tpu.memory_space<vmem>>
    %dma_wait3A_403 = tpu.memref_squeeze %dma_wait3A_402 : memref<1x112xi32, #tpu.memory_space<vmem>> -> memref<112xi32, #tpu.memory_space<vmem>>
    %dma_wait3A_404 = arith.constant 0 : i32
    %dma_wait3A_405 = arith.constant 0 : i32
    %dma_wait3A_406 = tpu.memref_slice %arg6[%dma_wait3A_404, %dma_wait3A_405] : memref<4736x128xf32, #tpu.memory_space<vmem_shared>> -> memref<4736x128xf32, #tpu.memory_space<vmem_shared>>
    tpu.wait_indirect_dma semaphore(%arg11 : memref<!tpu.dma_semaphore, #tpu.memory_space<semaphore_mem>>) src(%dma_wait3A_406 : memref<4736x128xf32, #tpu.memory_space<vmem_shared>>) dst(%arg7 : memref<112x128xf32, #tpu.memory_space<vmem>>)
    %mul3A_407 = arith.constant 28 : i32
    %mul3A_408 = arith.muli %add3A, %mul3A_407 : i32
    %add3A_409 = arith.constant 12 : i32
    %add3A_410 = arith.addi %mul3A_408, %add3A_409 : i32
    %mul3A_411 = arith.constant 112 : i32
    %mul3A_412 = arith.muli %add3A_410, %mul3A_411 : i32
    %min3A_413 = arith.constant 99888 : i32
    %min3A_414 = arith.minsi %mul3A_412, %min3A_413 : i32
    %multiple_of3A_415 = tpu.assume_multiple %min3A_414, 8 : i32
    %dma_start3A_416 = arith.constant 0 : i32
    %dma_start3A_417 = tpu.memref_slice %arg4[%multiple_of3A_415, %dma_start3A_416] : memref<100000x128xf32, #tpu.memory_space<hbm>> -> memref<112x128xf32, #tpu.memory_space<hbm>>
    %dma_start3A_418 = arith.constant 0 : i32
    %dma_start3A_419 = tpu.memref_slice %arg4[%multiple_of3A_415, %dma_start3A_418] : memref<100000x128xf32, #tpu.memory_space<hbm>> -> memref<112x128xf32, #tpu.memory_space<hbm>>
    tpu.enqueue_dma source(%arg7 : memref<112x128xf32, #tpu.memory_space<vmem>>) target(%dma_start3A_419 : memref<112x128xf32, #tpu.memory_space<hbm>>) target_semaphore(%arg15 : memref<!tpu.dma_semaphore, #tpu.memory_space<semaphore_mem>>)
    %dma_wait3A_420 = arith.constant 0 : i32
    %dma_wait3A_421 = tpu.memref_slice %arg4[%multiple_of3A_415, %dma_wait3A_420] : memref<100000x128xf32, #tpu.memory_space<hbm>> -> memref<112x128xf32, #tpu.memory_space<hbm>>
    %dma_wait3A_422 = arith.constant 0 : i32
    %dma_wait3A_423 = tpu.memref_slice %arg4[%multiple_of3A_415, %dma_wait3A_422] : memref<100000x128xf32, #tpu.memory_space<hbm>> -> memref<112x128xf32, #tpu.memory_space<hbm>>
    tpu.wait_dma2 semaphore(%arg15 : memref<!tpu.dma_semaphore, #tpu.memory_space<semaphore_mem>>) src(%arg7 : memref<112x128xf32, #tpu.memory_space<vmem>>) dst(%dma_wait3A_423 : memref<112x128xf32, #tpu.memory_space<hbm>>)
    %dma_start3A_424 = arith.constant 16 : i32
    %dma_start3A_425 = arith.constant 0 : i32
    %dma_start3A_426 = tpu.memref_slice %arg5[%dma_start3A_424, %dma_start3A_425] : memref<28x112xi32, #tpu.memory_space<vmem>> -> memref<1x112xi32, #tpu.memory_space<vmem>>
    %dma_start3A_427 = tpu.memref_squeeze %dma_start3A_426 : memref<1x112xi32, #tpu.memory_space<vmem>> -> memref<112xi32, #tpu.memory_space<vmem>>
    %dma_start3A_428 = arith.constant 0 : i32
    %dma_start3A_429 = arith.constant 0 : i32
    %dma_start3A_430 = tpu.memref_slice %arg6[%dma_start3A_428, %dma_start3A_429] : memref<4736x128xf32, #tpu.memory_space<vmem_shared>> -> memref<4736x128xf32, #tpu.memory_space<vmem_shared>>
    tpu.enqueue_indirect_dma source(%dma_start3A_430 : memref<4736x128xf32, #tpu.memory_space<vmem_shared>>) target(%arg7 : memref<112x128xf32, #tpu.memory_space<vmem>>) offsets(%dma_start3A_427 : memref<112xi32, #tpu.memory_space<vmem>>) semaphore(%arg11 : memref<!tpu.dma_semaphore, #tpu.memory_space<semaphore_mem>>)
    %dma_wait3A_431 = arith.constant 13 : i32
    %dma_wait3A_432 = arith.constant 0 : i32
    %dma_wait3A_433 = tpu.memref_slice %arg5[%dma_wait3A_431, %dma_wait3A_432] : memref<28x112xi32, #tpu.memory_space<vmem>> -> memref<1x112xi32, #tpu.memory_space<vmem>>
    %dma_wait3A_434 = tpu.memref_squeeze %dma_wait3A_433 : memref<1x112xi32, #tpu.memory_space<vmem>> -> memref<112xi32, #tpu.memory_space<vmem>>
    %dma_wait3A_435 = arith.constant 0 : i32
    %dma_wait3A_436 = arith.constant 0 : i32
    %dma_wait3A_437 = tpu.memref_slice %arg6[%dma_wait3A_435, %dma_wait3A_436] : memref<4736x128xf32, #tpu.memory_space<vmem_shared>> -> memref<4736x128xf32, #tpu.memory_space<vmem_shared>>
    tpu.wait_indirect_dma semaphore(%arg12 : memref<!tpu.dma_semaphore, #tpu.memory_space<semaphore_mem>>) src(%dma_wait3A_437 : memref<4736x128xf32, #tpu.memory_space<vmem_shared>>) dst(%arg8 : memref<112x128xf32, #tpu.memory_space<vmem>>)
    %mul3A_438 = arith.constant 28 : i32
    %mul3A_439 = arith.muli %add3A, %mul3A_438 : i32
    %add3A_440 = arith.constant 13 : i32
    %add3A_441 = arith.addi %mul3A_439, %add3A_440 : i32
    %mul3A_442 = arith.constant 112 : i32
    %mul3A_443 = arith.muli %add3A_441, %mul3A_442 : i32
    %min3A_444 = arith.constant 99888 : i32
    %min3A_445 = arith.minsi %mul3A_443, %min3A_444 : i32
    %multiple_of3A_446 = tpu.assume_multiple %min3A_445, 8 : i32
    %dma_start3A_447 = arith.constant 0 : i32
    %dma_start3A_448 = tpu.memref_slice %arg4[%multiple_of3A_446, %dma_start3A_447] : memref<100000x128xf32, #tpu.memory_space<hbm>> -> memref<112x128xf32, #tpu.memory_space<hbm>>
    %dma_start3A_449 = arith.constant 0 : i32
    %dma_start3A_450 = tpu.memref_slice %arg4[%multiple_of3A_446, %dma_start3A_449] : memref<100000x128xf32, #tpu.memory_space<hbm>> -> memref<112x128xf32, #tpu.memory_space<hbm>>
    tpu.enqueue_dma source(%arg8 : memref<112x128xf32, #tpu.memory_space<vmem>>) target(%dma_start3A_450 : memref<112x128xf32, #tpu.memory_space<hbm>>) target_semaphore(%arg16 : memref<!tpu.dma_semaphore, #tpu.memory_space<semaphore_mem>>)
    %dma_wait3A_451 = arith.constant 0 : i32
    %dma_wait3A_452 = tpu.memref_slice %arg4[%multiple_of3A_446, %dma_wait3A_451] : memref<100000x128xf32, #tpu.memory_space<hbm>> -> memref<112x128xf32, #tpu.memory_space<hbm>>
    %dma_wait3A_453 = arith.constant 0 : i32
    %dma_wait3A_454 = tpu.memref_slice %arg4[%multiple_of3A_446, %dma_wait3A_453] : memref<100000x128xf32, #tpu.memory_space<hbm>> -> memref<112x128xf32, #tpu.memory_space<hbm>>
    tpu.wait_dma2 semaphore(%arg16 : memref<!tpu.dma_semaphore, #tpu.memory_space<semaphore_mem>>) src(%arg8 : memref<112x128xf32, #tpu.memory_space<vmem>>) dst(%dma_wait3A_454 : memref<112x128xf32, #tpu.memory_space<hbm>>)
    %dma_start3A_455 = arith.constant 17 : i32
    %dma_start3A_456 = arith.constant 0 : i32
    %dma_start3A_457 = tpu.memref_slice %arg5[%dma_start3A_455, %dma_start3A_456] : memref<28x112xi32, #tpu.memory_space<vmem>> -> memref<1x112xi32, #tpu.memory_space<vmem>>
    %dma_start3A_458 = tpu.memref_squeeze %dma_start3A_457 : memref<1x112xi32, #tpu.memory_space<vmem>> -> memref<112xi32, #tpu.memory_space<vmem>>
    %dma_start3A_459 = arith.constant 0 : i32
    %dma_start3A_460 = arith.constant 0 : i32
    %dma_start3A_461 = tpu.memref_slice %arg6[%dma_start3A_459, %dma_start3A_460] : memref<4736x128xf32, #tpu.memory_space<vmem_shared>> -> memref<4736x128xf32, #tpu.memory_space<vmem_shared>>
    tpu.enqueue_indirect_dma source(%dma_start3A_461 : memref<4736x128xf32, #tpu.memory_space<vmem_shared>>) target(%arg8 : memref<112x128xf32, #tpu.memory_space<vmem>>) offsets(%dma_start3A_458 : memref<112xi32, #tpu.memory_space<vmem>>) semaphore(%arg12 : memref<!tpu.dma_semaphore, #tpu.memory_space<semaphore_mem>>)
    %dma_wait3A_462 = arith.constant 14 : i32
    %dma_wait3A_463 = arith.constant 0 : i32
    %dma_wait3A_464 = tpu.memref_slice %arg5[%dma_wait3A_462, %dma_wait3A_463] : memref<28x112xi32, #tpu.memory_space<vmem>> -> memref<1x112xi32, #tpu.memory_space<vmem>>
    %dma_wait3A_465 = tpu.memref_squeeze %dma_wait3A_464 : memref<1x112xi32, #tpu.memory_space<vmem>> -> memref<112xi32, #tpu.memory_space<vmem>>
    %dma_wait3A_466 = arith.constant 0 : i32
    %dma_wait3A_467 = arith.constant 0 : i32
    %dma_wait3A_468 = tpu.memref_slice %arg6[%dma_wait3A_466, %dma_wait3A_467] : memref<4736x128xf32, #tpu.memory_space<vmem_shared>> -> memref<4736x128xf32, #tpu.memory_space<vmem_shared>>
    tpu.wait_indirect_dma semaphore(%arg13 : memref<!tpu.dma_semaphore, #tpu.memory_space<semaphore_mem>>) src(%dma_wait3A_468 : memref<4736x128xf32, #tpu.memory_space<vmem_shared>>) dst(%arg9 : memref<112x128xf32, #tpu.memory_space<vmem>>)
    %mul3A_469 = arith.constant 28 : i32
    %mul3A_470 = arith.muli %add3A, %mul3A_469 : i32
    %add3A_471 = arith.constant 14 : i32
    %add3A_472 = arith.addi %mul3A_470, %add3A_471 : i32
    %mul3A_473 = arith.constant 112 : i32
    %mul3A_474 = arith.muli %add3A_472, %mul3A_473 : i32
    %min3A_475 = arith.constant 99888 : i32
    %min3A_476 = arith.minsi %mul3A_474, %min3A_475 : i32
    %multiple_of3A_477 = tpu.assume_multiple %min3A_476, 8 : i32
    %dma_start3A_478 = arith.constant 0 : i32
    %dma_start3A_479 = tpu.memref_slice %arg4[%multiple_of3A_477, %dma_start3A_478] : memref<100000x128xf32, #tpu.memory_space<hbm>> -> memref<112x128xf32, #tpu.memory_space<hbm>>
    %dma_start3A_480 = arith.constant 0 : i32
    %dma_start3A_481 = tpu.memref_slice %arg4[%multiple_of3A_477, %dma_start3A_480] : memref<100000x128xf32, #tpu.memory_space<hbm>> -> memref<112x128xf32, #tpu.memory_space<hbm>>
    tpu.enqueue_dma source(%arg9 : memref<112x128xf32, #tpu.memory_space<vmem>>) target(%dma_start3A_481 : memref<112x128xf32, #tpu.memory_space<hbm>>) target_semaphore(%arg17 : memref<!tpu.dma_semaphore, #tpu.memory_space<semaphore_mem>>)
    %dma_wait3A_482 = arith.constant 0 : i32
    %dma_wait3A_483 = tpu.memref_slice %arg4[%multiple_of3A_477, %dma_wait3A_482] : memref<100000x128xf32, #tpu.memory_space<hbm>> -> memref<112x128xf32, #tpu.memory_space<hbm>>
    %dma_wait3A_484 = arith.constant 0 : i32
    %dma_wait3A_485 = tpu.memref_slice %arg4[%multiple_of3A_477, %dma_wait3A_484] : memref<100000x128xf32, #tpu.memory_space<hbm>> -> memref<112x128xf32, #tpu.memory_space<hbm>>
    tpu.wait_dma2 semaphore(%arg17 : memref<!tpu.dma_semaphore, #tpu.memory_space<semaphore_mem>>) src(%arg9 : memref<112x128xf32, #tpu.memory_space<vmem>>) dst(%dma_wait3A_485 : memref<112x128xf32, #tpu.memory_space<hbm>>)
    %dma_start3A_486 = arith.constant 18 : i32
    %dma_start3A_487 = arith.constant 0 : i32
    %dma_start3A_488 = tpu.memref_slice %arg5[%dma_start3A_486, %dma_start3A_487] : memref<28x112xi32, #tpu.memory_space<vmem>> -> memref<1x112xi32, #tpu.memory_space<vmem>>
    %dma_start3A_489 = tpu.memref_squeeze %dma_start3A_488 : memref<1x112xi32, #tpu.memory_space<vmem>> -> memref<112xi32, #tpu.memory_space<vmem>>
    %dma_start3A_490 = arith.constant 0 : i32
    %dma_start3A_491 = arith.constant 0 : i32
    %dma_start3A_492 = tpu.memref_slice %arg6[%dma_start3A_490, %dma_start3A_491] : memref<4736x128xf32, #tpu.memory_space<vmem_shared>> -> memref<4736x128xf32, #tpu.memory_space<vmem_shared>>
    tpu.enqueue_indirect_dma source(%dma_start3A_492 : memref<4736x128xf32, #tpu.memory_space<vmem_shared>>) target(%arg9 : memref<112x128xf32, #tpu.memory_space<vmem>>) offsets(%dma_start3A_489 : memref<112xi32, #tpu.memory_space<vmem>>) semaphore(%arg13 : memref<!tpu.dma_semaphore, #tpu.memory_space<semaphore_mem>>)
    %dma_wait3A_493 = arith.constant 15 : i32
    %dma_wait3A_494 = arith.constant 0 : i32
    %dma_wait3A_495 = tpu.memref_slice %arg5[%dma_wait3A_493, %dma_wait3A_494] : memref<28x112xi32, #tpu.memory_space<vmem>> -> memref<1x112xi32, #tpu.memory_space<vmem>>
    %dma_wait3A_496 = tpu.memref_squeeze %dma_wait3A_495 : memref<1x112xi32, #tpu.memory_space<vmem>> -> memref<112xi32, #tpu.memory_space<vmem>>
    %dma_wait3A_497 = arith.constant 0 : i32
    %dma_wait3A_498 = arith.constant 0 : i32
    %dma_wait3A_499 = tpu.memref_slice %arg6[%dma_wait3A_497, %dma_wait3A_498] : memref<4736x128xf32, #tpu.memory_space<vmem_shared>> -> memref<4736x128xf32, #tpu.memory_space<vmem_shared>>
    tpu.wait_indirect_dma semaphore(%arg14 : memref<!tpu.dma_semaphore, #tpu.memory_space<semaphore_mem>>) src(%dma_wait3A_499 : memref<4736x128xf32, #tpu.memory_space<vmem_shared>>) dst(%arg10 : memref<112x128xf32, #tpu.memory_space<vmem>>)
    %mul3A_500 = arith.constant 28 : i32
    %mul3A_501 = arith.muli %add3A, %mul3A_500 : i32
    %add3A_502 = arith.constant 15 : i32
    %add3A_503 = arith.addi %mul3A_501, %add3A_502 : i32
    %mul3A_504 = arith.constant 112 : i32
    %mul3A_505 = arith.muli %add3A_503, %mul3A_504 : i32
    %min3A_506 = arith.constant 99888 : i32
    %min3A_507 = arith.minsi %mul3A_505, %min3A_506 : i32
    %multiple_of3A_508 = tpu.assume_multiple %min3A_507, 8 : i32
    %dma_start3A_509 = arith.constant 0 : i32
    %dma_start3A_510 = tpu.memref_slice %arg4[%multiple_of3A_508, %dma_start3A_509] : memref<100000x128xf32, #tpu.memory_space<hbm>> -> memref<112x128xf32, #tpu.memory_space<hbm>>
    %dma_start3A_511 = arith.constant 0 : i32
    %dma_start3A_512 = tpu.memref_slice %arg4[%multiple_of3A_508, %dma_start3A_511] : memref<100000x128xf32, #tpu.memory_space<hbm>> -> memref<112x128xf32, #tpu.memory_space<hbm>>
    tpu.enqueue_dma source(%arg10 : memref<112x128xf32, #tpu.memory_space<vmem>>) target(%dma_start3A_512 : memref<112x128xf32, #tpu.memory_space<hbm>>) target_semaphore(%arg18 : memref<!tpu.dma_semaphore, #tpu.memory_space<semaphore_mem>>)
    %dma_wait3A_513 = arith.constant 0 : i32
    %dma_wait3A_514 = tpu.memref_slice %arg4[%multiple_of3A_508, %dma_wait3A_513] : memref<100000x128xf32, #tpu.memory_space<hbm>> -> memref<112x128xf32, #tpu.memory_space<hbm>>
    %dma_wait3A_515 = arith.constant 0 : i32
    %dma_wait3A_516 = tpu.memref_slice %arg4[%multiple_of3A_508, %dma_wait3A_515] : memref<100000x128xf32, #tpu.memory_space<hbm>> -> memref<112x128xf32, #tpu.memory_space<hbm>>
    tpu.wait_dma2 semaphore(%arg18 : memref<!tpu.dma_semaphore, #tpu.memory_space<semaphore_mem>>) src(%arg10 : memref<112x128xf32, #tpu.memory_space<vmem>>) dst(%dma_wait3A_516 : memref<112x128xf32, #tpu.memory_space<hbm>>)
    %dma_start3A_517 = arith.constant 19 : i32
    %dma_start3A_518 = arith.constant 0 : i32
    %dma_start3A_519 = tpu.memref_slice %arg5[%dma_start3A_517, %dma_start3A_518] : memref<28x112xi32, #tpu.memory_space<vmem>> -> memref<1x112xi32, #tpu.memory_space<vmem>>
    %dma_start3A_520 = tpu.memref_squeeze %dma_start3A_519 : memref<1x112xi32, #tpu.memory_space<vmem>> -> memref<112xi32, #tpu.memory_space<vmem>>
    %dma_start3A_521 = arith.constant 0 : i32
    %dma_start3A_522 = arith.constant 0 : i32
    %dma_start3A_523 = tpu.memref_slice %arg6[%dma_start3A_521, %dma_start3A_522] : memref<4736x128xf32, #tpu.memory_space<vmem_shared>> -> memref<4736x128xf32, #tpu.memory_space<vmem_shared>>
    tpu.enqueue_indirect_dma source(%dma_start3A_523 : memref<4736x128xf32, #tpu.memory_space<vmem_shared>>) target(%arg10 : memref<112x128xf32, #tpu.memory_space<vmem>>) offsets(%dma_start3A_520 : memref<112xi32, #tpu.memory_space<vmem>>) semaphore(%arg14 : memref<!tpu.dma_semaphore, #tpu.memory_space<semaphore_mem>>)
    %dma_wait3A_524 = arith.constant 16 : i32
    %dma_wait3A_525 = arith.constant 0 : i32
    %dma_wait3A_526 = tpu.memref_slice %arg5[%dma_wait3A_524, %dma_wait3A_525] : memref<28x112xi32, #tpu.memory_space<vmem>> -> memref<1x112xi32, #tpu.memory_space<vmem>>
    %dma_wait3A_527 = tpu.memref_squeeze %dma_wait3A_526 : memref<1x112xi32, #tpu.memory_space<vmem>> -> memref<112xi32, #tpu.memory_space<vmem>>
    %dma_wait3A_528 = arith.constant 0 : i32
    %dma_wait3A_529 = arith.constant 0 : i32
    %dma_wait3A_530 = tpu.memref_slice %arg6[%dma_wait3A_528, %dma_wait3A_529] : memref<4736x128xf32, #tpu.memory_space<vmem_shared>> -> memref<4736x128xf32, #tpu.memory_space<vmem_shared>>
    tpu.wait_indirect_dma semaphore(%arg11 : memref<!tpu.dma_semaphore, #tpu.memory_space<semaphore_mem>>) src(%dma_wait3A_530 : memref<4736x128xf32, #tpu.memory_space<vmem_shared>>) dst(%arg7 : memref<112x128xf32, #tpu.memory_space<vmem>>)
    %mul3A_531 = arith.constant 28 : i32
    %mul3A_532 = arith.muli %add3A, %mul3A_531 : i32
    %add3A_533 = arith.constant 16 : i32
    %add3A_534 = arith.addi %mul3A_532, %add3A_533 : i32
    %mul3A_535 = arith.constant 112 : i32
    %mul3A_536 = arith.muli %add3A_534, %mul3A_535 : i32
    %min3A_537 = arith.constant 99888 : i32
    %min3A_538 = arith.minsi %mul3A_536, %min3A_537 : i32
    %multiple_of3A_539 = tpu.assume_multiple %min3A_538, 8 : i32
    %dma_start3A_540 = arith.constant 0 : i32
    %dma_start3A_541 = tpu.memref_slice %arg4[%multiple_of3A_539, %dma_start3A_540] : memref<100000x128xf32, #tpu.memory_space<hbm>> -> memref<112x128xf32, #tpu.memory_space<hbm>>
    %dma_start3A_542 = arith.constant 0 : i32
    %dma_start3A_543 = tpu.memref_slice %arg4[%multiple_of3A_539, %dma_start3A_542] : memref<100000x128xf32, #tpu.memory_space<hbm>> -> memref<112x128xf32, #tpu.memory_space<hbm>>
    tpu.enqueue_dma source(%arg7 : memref<112x128xf32, #tpu.memory_space<vmem>>) target(%dma_start3A_543 : memref<112x128xf32, #tpu.memory_space<hbm>>) target_semaphore(%arg15 : memref<!tpu.dma_semaphore, #tpu.memory_space<semaphore_mem>>)
    %dma_wait3A_544 = arith.constant 0 : i32
    %dma_wait3A_545 = tpu.memref_slice %arg4[%multiple_of3A_539, %dma_wait3A_544] : memref<100000x128xf32, #tpu.memory_space<hbm>> -> memref<112x128xf32, #tpu.memory_space<hbm>>
    %dma_wait3A_546 = arith.constant 0 : i32
    %dma_wait3A_547 = tpu.memref_slice %arg4[%multiple_of3A_539, %dma_wait3A_546] : memref<100000x128xf32, #tpu.memory_space<hbm>> -> memref<112x128xf32, #tpu.memory_space<hbm>>
    tpu.wait_dma2 semaphore(%arg15 : memref<!tpu.dma_semaphore, #tpu.memory_space<semaphore_mem>>) src(%arg7 : memref<112x128xf32, #tpu.memory_space<vmem>>) dst(%dma_wait3A_547 : memref<112x128xf32, #tpu.memory_space<hbm>>)
    %dma_start3A_548 = arith.constant 20 : i32
    %dma_start3A_549 = arith.constant 0 : i32
    %dma_start3A_550 = tpu.memref_slice %arg5[%dma_start3A_548, %dma_start3A_549] : memref<28x112xi32, #tpu.memory_space<vmem>> -> memref<1x112xi32, #tpu.memory_space<vmem>>
    %dma_start3A_551 = tpu.memref_squeeze %dma_start3A_550 : memref<1x112xi32, #tpu.memory_space<vmem>> -> memref<112xi32, #tpu.memory_space<vmem>>
    %dma_start3A_552 = arith.constant 0 : i32
    %dma_start3A_553 = arith.constant 0 : i32
    %dma_start3A_554 = tpu.memref_slice %arg6[%dma_start3A_552, %dma_start3A_553] : memref<4736x128xf32, #tpu.memory_space<vmem_shared>> -> memref<4736x128xf32, #tpu.memory_space<vmem_shared>>
    tpu.enqueue_indirect_dma source(%dma_start3A_554 : memref<4736x128xf32, #tpu.memory_space<vmem_shared>>) target(%arg7 : memref<112x128xf32, #tpu.memory_space<vmem>>) offsets(%dma_start3A_551 : memref<112xi32, #tpu.memory_space<vmem>>) semaphore(%arg11 : memref<!tpu.dma_semaphore, #tpu.memory_space<semaphore_mem>>)
    %dma_wait3A_555 = arith.constant 17 : i32
    %dma_wait3A_556 = arith.constant 0 : i32
    %dma_wait3A_557 = tpu.memref_slice %arg5[%dma_wait3A_555, %dma_wait3A_556] : memref<28x112xi32, #tpu.memory_space<vmem>> -> memref<1x112xi32, #tpu.memory_space<vmem>>
    %dma_wait3A_558 = tpu.memref_squeeze %dma_wait3A_557 : memref<1x112xi32, #tpu.memory_space<vmem>> -> memref<112xi32, #tpu.memory_space<vmem>>
    %dma_wait3A_559 = arith.constant 0 : i32
    %dma_wait3A_560 = arith.constant 0 : i32
    %dma_wait3A_561 = tpu.memref_slice %arg6[%dma_wait3A_559, %dma_wait3A_560] : memref<4736x128xf32, #tpu.memory_space<vmem_shared>> -> memref<4736x128xf32, #tpu.memory_space<vmem_shared>>
    tpu.wait_indirect_dma semaphore(%arg12 : memref<!tpu.dma_semaphore, #tpu.memory_space<semaphore_mem>>) src(%dma_wait3A_561 : memref<4736x128xf32, #tpu.memory_space<vmem_shared>>) dst(%arg8 : memref<112x128xf32, #tpu.memory_space<vmem>>)
    %mul3A_562 = arith.constant 28 : i32
    %mul3A_563 = arith.muli %add3A, %mul3A_562 : i32
    %add3A_564 = arith.constant 17 : i32
    %add3A_565 = arith.addi %mul3A_563, %add3A_564 : i32
    %mul3A_566 = arith.constant 112 : i32
    %mul3A_567 = arith.muli %add3A_565, %mul3A_566 : i32
    %min3A_568 = arith.constant 99888 : i32
    %min3A_569 = arith.minsi %mul3A_567, %min3A_568 : i32
    %multiple_of3A_570 = tpu.assume_multiple %min3A_569, 8 : i32
    %dma_start3A_571 = arith.constant 0 : i32
    %dma_start3A_572 = tpu.memref_slice %arg4[%multiple_of3A_570, %dma_start3A_571] : memref<100000x128xf32, #tpu.memory_space<hbm>> -> memref<112x128xf32, #tpu.memory_space<hbm>>
    %dma_start3A_573 = arith.constant 0 : i32
    %dma_start3A_574 = tpu.memref_slice %arg4[%multiple_of3A_570, %dma_start3A_573] : memref<100000x128xf32, #tpu.memory_space<hbm>> -> memref<112x128xf32, #tpu.memory_space<hbm>>
    tpu.enqueue_dma source(%arg8 : memref<112x128xf32, #tpu.memory_space<vmem>>) target(%dma_start3A_574 : memref<112x128xf32, #tpu.memory_space<hbm>>) target_semaphore(%arg16 : memref<!tpu.dma_semaphore, #tpu.memory_space<semaphore_mem>>)
    %dma_wait3A_575 = arith.constant 0 : i32
    %dma_wait3A_576 = tpu.memref_slice %arg4[%multiple_of3A_570, %dma_wait3A_575] : memref<100000x128xf32, #tpu.memory_space<hbm>> -> memref<112x128xf32, #tpu.memory_space<hbm>>
    %dma_wait3A_577 = arith.constant 0 : i32
    %dma_wait3A_578 = tpu.memref_slice %arg4[%multiple_of3A_570, %dma_wait3A_577] : memref<100000x128xf32, #tpu.memory_space<hbm>> -> memref<112x128xf32, #tpu.memory_space<hbm>>
    tpu.wait_dma2 semaphore(%arg16 : memref<!tpu.dma_semaphore, #tpu.memory_space<semaphore_mem>>) src(%arg8 : memref<112x128xf32, #tpu.memory_space<vmem>>) dst(%dma_wait3A_578 : memref<112x128xf32, #tpu.memory_space<hbm>>)
    %dma_start3A_579 = arith.constant 21 : i32
    %dma_start3A_580 = arith.constant 0 : i32
    %dma_start3A_581 = tpu.memref_slice %arg5[%dma_start3A_579, %dma_start3A_580] : memref<28x112xi32, #tpu.memory_space<vmem>> -> memref<1x112xi32, #tpu.memory_space<vmem>>
    %dma_start3A_582 = tpu.memref_squeeze %dma_start3A_581 : memref<1x112xi32, #tpu.memory_space<vmem>> -> memref<112xi32, #tpu.memory_space<vmem>>
    %dma_start3A_583 = arith.constant 0 : i32
    %dma_start3A_584 = arith.constant 0 : i32
    %dma_start3A_585 = tpu.memref_slice %arg6[%dma_start3A_583, %dma_start3A_584] : memref<4736x128xf32, #tpu.memory_space<vmem_shared>> -> memref<4736x128xf32, #tpu.memory_space<vmem_shared>>
    tpu.enqueue_indirect_dma source(%dma_start3A_585 : memref<4736x128xf32, #tpu.memory_space<vmem_shared>>) target(%arg8 : memref<112x128xf32, #tpu.memory_space<vmem>>) offsets(%dma_start3A_582 : memref<112xi32, #tpu.memory_space<vmem>>) semaphore(%arg12 : memref<!tpu.dma_semaphore, #tpu.memory_space<semaphore_mem>>)
    %dma_wait3A_586 = arith.constant 18 : i32
    %dma_wait3A_587 = arith.constant 0 : i32
    %dma_wait3A_588 = tpu.memref_slice %arg5[%dma_wait3A_586, %dma_wait3A_587] : memref<28x112xi32, #tpu.memory_space<vmem>> -> memref<1x112xi32, #tpu.memory_space<vmem>>
    %dma_wait3A_589 = tpu.memref_squeeze %dma_wait3A_588 : memref<1x112xi32, #tpu.memory_space<vmem>> -> memref<112xi32, #tpu.memory_space<vmem>>
    %dma_wait3A_590 = arith.constant 0 : i32
    %dma_wait3A_591 = arith.constant 0 : i32
    %dma_wait3A_592 = tpu.memref_slice %arg6[%dma_wait3A_590, %dma_wait3A_591] : memref<4736x128xf32, #tpu.memory_space<vmem_shared>> -> memref<4736x128xf32, #tpu.memory_space<vmem_shared>>
    tpu.wait_indirect_dma semaphore(%arg13 : memref<!tpu.dma_semaphore, #tpu.memory_space<semaphore_mem>>) src(%dma_wait3A_592 : memref<4736x128xf32, #tpu.memory_space<vmem_shared>>) dst(%arg9 : memref<112x128xf32, #tpu.memory_space<vmem>>)
    %mul3A_593 = arith.constant 28 : i32
    %mul3A_594 = arith.muli %add3A, %mul3A_593 : i32
    %add3A_595 = arith.constant 18 : i32
    %add3A_596 = arith.addi %mul3A_594, %add3A_595 : i32
    %mul3A_597 = arith.constant 112 : i32
    %mul3A_598 = arith.muli %add3A_596, %mul3A_597 : i32
    %min3A_599 = arith.constant 99888 : i32
    %min3A_600 = arith.minsi %mul3A_598, %min3A_599 : i32
    %multiple_of3A_601 = tpu.assume_multiple %min3A_600, 8 : i32
    %dma_start3A_602 = arith.constant 0 : i32
    %dma_start3A_603 = tpu.memref_slice %arg4[%multiple_of3A_601, %dma_start3A_602] : memref<100000x128xf32, #tpu.memory_space<hbm>> -> memref<112x128xf32, #tpu.memory_space<hbm>>
    %dma_start3A_604 = arith.constant 0 : i32
    %dma_start3A_605 = tpu.memref_slice %arg4[%multiple_of3A_601, %dma_start3A_604] : memref<100000x128xf32, #tpu.memory_space<hbm>> -> memref<112x128xf32, #tpu.memory_space<hbm>>
    tpu.enqueue_dma source(%arg9 : memref<112x128xf32, #tpu.memory_space<vmem>>) target(%dma_start3A_605 : memref<112x128xf32, #tpu.memory_space<hbm>>) target_semaphore(%arg17 : memref<!tpu.dma_semaphore, #tpu.memory_space<semaphore_mem>>)
    %dma_wait3A_606 = arith.constant 0 : i32
    %dma_wait3A_607 = tpu.memref_slice %arg4[%multiple_of3A_601, %dma_wait3A_606] : memref<100000x128xf32, #tpu.memory_space<hbm>> -> memref<112x128xf32, #tpu.memory_space<hbm>>
    %dma_wait3A_608 = arith.constant 0 : i32
    %dma_wait3A_609 = tpu.memref_slice %arg4[%multiple_of3A_601, %dma_wait3A_608] : memref<100000x128xf32, #tpu.memory_space<hbm>> -> memref<112x128xf32, #tpu.memory_space<hbm>>
    tpu.wait_dma2 semaphore(%arg17 : memref<!tpu.dma_semaphore, #tpu.memory_space<semaphore_mem>>) src(%arg9 : memref<112x128xf32, #tpu.memory_space<vmem>>) dst(%dma_wait3A_609 : memref<112x128xf32, #tpu.memory_space<hbm>>)
    %dma_start3A_610 = arith.constant 22 : i32
    %dma_start3A_611 = arith.constant 0 : i32
    %dma_start3A_612 = tpu.memref_slice %arg5[%dma_start3A_610, %dma_start3A_611] : memref<28x112xi32, #tpu.memory_space<vmem>> -> memref<1x112xi32, #tpu.memory_space<vmem>>
    %dma_start3A_613 = tpu.memref_squeeze %dma_start3A_612 : memref<1x112xi32, #tpu.memory_space<vmem>> -> memref<112xi32, #tpu.memory_space<vmem>>
    %dma_start3A_614 = arith.constant 0 : i32
    %dma_start3A_615 = arith.constant 0 : i32
    %dma_start3A_616 = tpu.memref_slice %arg6[%dma_start3A_614, %dma_start3A_615] : memref<4736x128xf32, #tpu.memory_space<vmem_shared>> -> memref<4736x128xf32, #tpu.memory_space<vmem_shared>>
    tpu.enqueue_indirect_dma source(%dma_start3A_616 : memref<4736x128xf32, #tpu.memory_space<vmem_shared>>) target(%arg9 : memref<112x128xf32, #tpu.memory_space<vmem>>) offsets(%dma_start3A_613 : memref<112xi32, #tpu.memory_space<vmem>>) semaphore(%arg13 : memref<!tpu.dma_semaphore, #tpu.memory_space<semaphore_mem>>)
    %dma_wait3A_617 = arith.constant 19 : i32
    %dma_wait3A_618 = arith.constant 0 : i32
    %dma_wait3A_619 = tpu.memref_slice %arg5[%dma_wait3A_617, %dma_wait3A_618] : memref<28x112xi32, #tpu.memory_space<vmem>> -> memref<1x112xi32, #tpu.memory_space<vmem>>
    %dma_wait3A_620 = tpu.memref_squeeze %dma_wait3A_619 : memref<1x112xi32, #tpu.memory_space<vmem>> -> memref<112xi32, #tpu.memory_space<vmem>>
    %dma_wait3A_621 = arith.constant 0 : i32
    %dma_wait3A_622 = arith.constant 0 : i32
    %dma_wait3A_623 = tpu.memref_slice %arg6[%dma_wait3A_621, %dma_wait3A_622] : memref<4736x128xf32, #tpu.memory_space<vmem_shared>> -> memref<4736x128xf32, #tpu.memory_space<vmem_shared>>
    tpu.wait_indirect_dma semaphore(%arg14 : memref<!tpu.dma_semaphore, #tpu.memory_space<semaphore_mem>>) src(%dma_wait3A_623 : memref<4736x128xf32, #tpu.memory_space<vmem_shared>>) dst(%arg10 : memref<112x128xf32, #tpu.memory_space<vmem>>)
    %mul3A_624 = arith.constant 28 : i32
    %mul3A_625 = arith.muli %add3A, %mul3A_624 : i32
    %add3A_626 = arith.constant 19 : i32
    %add3A_627 = arith.addi %mul3A_625, %add3A_626 : i32
    %mul3A_628 = arith.constant 112 : i32
    %mul3A_629 = arith.muli %add3A_627, %mul3A_628 : i32
    %min3A_630 = arith.constant 99888 : i32
    %min3A_631 = arith.minsi %mul3A_629, %min3A_630 : i32
    %multiple_of3A_632 = tpu.assume_multiple %min3A_631, 8 : i32
    %dma_start3A_633 = arith.constant 0 : i32
    %dma_start3A_634 = tpu.memref_slice %arg4[%multiple_of3A_632, %dma_start3A_633] : memref<100000x128xf32, #tpu.memory_space<hbm>> -> memref<112x128xf32, #tpu.memory_space<hbm>>
    %dma_start3A_635 = arith.constant 0 : i32
    %dma_start3A_636 = tpu.memref_slice %arg4[%multiple_of3A_632, %dma_start3A_635] : memref<100000x128xf32, #tpu.memory_space<hbm>> -> memref<112x128xf32, #tpu.memory_space<hbm>>
    tpu.enqueue_dma source(%arg10 : memref<112x128xf32, #tpu.memory_space<vmem>>) target(%dma_start3A_636 : memref<112x128xf32, #tpu.memory_space<hbm>>) target_semaphore(%arg18 : memref<!tpu.dma_semaphore, #tpu.memory_space<semaphore_mem>>)
    %dma_wait3A_637 = arith.constant 0 : i32
    %dma_wait3A_638 = tpu.memref_slice %arg4[%multiple_of3A_632, %dma_wait3A_637] : memref<100000x128xf32, #tpu.memory_space<hbm>> -> memref<112x128xf32, #tpu.memory_space<hbm>>
    %dma_wait3A_639 = arith.constant 0 : i32
    %dma_wait3A_640 = tpu.memref_slice %arg4[%multiple_of3A_632, %dma_wait3A_639] : memref<100000x128xf32, #tpu.memory_space<hbm>> -> memref<112x128xf32, #tpu.memory_space<hbm>>
    tpu.wait_dma2 semaphore(%arg18 : memref<!tpu.dma_semaphore, #tpu.memory_space<semaphore_mem>>) src(%arg10 : memref<112x128xf32, #tpu.memory_space<vmem>>) dst(%dma_wait3A_640 : memref<112x128xf32, #tpu.memory_space<hbm>>)
    %dma_start3A_641 = arith.constant 23 : i32
    %dma_start3A_642 = arith.constant 0 : i32
    %dma_start3A_643 = tpu.memref_slice %arg5[%dma_start3A_641, %dma_start3A_642] : memref<28x112xi32, #tpu.memory_space<vmem>> -> memref<1x112xi32, #tpu.memory_space<vmem>>
    %dma_start3A_644 = tpu.memref_squeeze %dma_start3A_643 : memref<1x112xi32, #tpu.memory_space<vmem>> -> memref<112xi32, #tpu.memory_space<vmem>>
    %dma_start3A_645 = arith.constant 0 : i32
    %dma_start3A_646 = arith.constant 0 : i32
    %dma_start3A_647 = tpu.memref_slice %arg6[%dma_start3A_645, %dma_start3A_646] : memref<4736x128xf32, #tpu.memory_space<vmem_shared>> -> memref<4736x128xf32, #tpu.memory_space<vmem_shared>>
    tpu.enqueue_indirect_dma source(%dma_start3A_647 : memref<4736x128xf32, #tpu.memory_space<vmem_shared>>) target(%arg10 : memref<112x128xf32, #tpu.memory_space<vmem>>) offsets(%dma_start3A_644 : memref<112xi32, #tpu.memory_space<vmem>>) semaphore(%arg14 : memref<!tpu.dma_semaphore, #tpu.memory_space<semaphore_mem>>)
    %dma_wait3A_648 = arith.constant 20 : i32
    %dma_wait3A_649 = arith.constant 0 : i32
    %dma_wait3A_650 = tpu.memref_slice %arg5[%dma_wait3A_648, %dma_wait3A_649] : memref<28x112xi32, #tpu.memory_space<vmem>> -> memref<1x112xi32, #tpu.memory_space<vmem>>
    %dma_wait3A_651 = tpu.memref_squeeze %dma_wait3A_650 : memref<1x112xi32, #tpu.memory_space<vmem>> -> memref<112xi32, #tpu.memory_space<vmem>>
    %dma_wait3A_652 = arith.constant 0 : i32
    %dma_wait3A_653 = arith.constant 0 : i32
    %dma_wait3A_654 = tpu.memref_slice %arg6[%dma_wait3A_652, %dma_wait3A_653] : memref<4736x128xf32, #tpu.memory_space<vmem_shared>> -> memref<4736x128xf32, #tpu.memory_space<vmem_shared>>
    tpu.wait_indirect_dma semaphore(%arg11 : memref<!tpu.dma_semaphore, #tpu.memory_space<semaphore_mem>>) src(%dma_wait3A_654 : memref<4736x128xf32, #tpu.memory_space<vmem_shared>>) dst(%arg7 : memref<112x128xf32, #tpu.memory_space<vmem>>)
    %mul3A_655 = arith.constant 28 : i32
    %mul3A_656 = arith.muli %add3A, %mul3A_655 : i32
    %add3A_657 = arith.constant 20 : i32
    %add3A_658 = arith.addi %mul3A_656, %add3A_657 : i32
    %mul3A_659 = arith.constant 112 : i32
    %mul3A_660 = arith.muli %add3A_658, %mul3A_659 : i32
    %min3A_661 = arith.constant 99888 : i32
    %min3A_662 = arith.minsi %mul3A_660, %min3A_661 : i32
    %multiple_of3A_663 = tpu.assume_multiple %min3A_662, 8 : i32
    %dma_start3A_664 = arith.constant 0 : i32
    %dma_start3A_665 = tpu.memref_slice %arg4[%multiple_of3A_663, %dma_start3A_664] : memref<100000x128xf32, #tpu.memory_space<hbm>> -> memref<112x128xf32, #tpu.memory_space<hbm>>
    %dma_start3A_666 = arith.constant 0 : i32
    %dma_start3A_667 = tpu.memref_slice %arg4[%multiple_of3A_663, %dma_start3A_666] : memref<100000x128xf32, #tpu.memory_space<hbm>> -> memref<112x128xf32, #tpu.memory_space<hbm>>
    tpu.enqueue_dma source(%arg7 : memref<112x128xf32, #tpu.memory_space<vmem>>) target(%dma_start3A_667 : memref<112x128xf32, #tpu.memory_space<hbm>>) target_semaphore(%arg15 : memref<!tpu.dma_semaphore, #tpu.memory_space<semaphore_mem>>)
    %dma_wait3A_668 = arith.constant 0 : i32
    %dma_wait3A_669 = tpu.memref_slice %arg4[%multiple_of3A_663, %dma_wait3A_668] : memref<100000x128xf32, #tpu.memory_space<hbm>> -> memref<112x128xf32, #tpu.memory_space<hbm>>
    %dma_wait3A_670 = arith.constant 0 : i32
    %dma_wait3A_671 = tpu.memref_slice %arg4[%multiple_of3A_663, %dma_wait3A_670] : memref<100000x128xf32, #tpu.memory_space<hbm>> -> memref<112x128xf32, #tpu.memory_space<hbm>>
    tpu.wait_dma2 semaphore(%arg15 : memref<!tpu.dma_semaphore, #tpu.memory_space<semaphore_mem>>) src(%arg7 : memref<112x128xf32, #tpu.memory_space<vmem>>) dst(%dma_wait3A_671 : memref<112x128xf32, #tpu.memory_space<hbm>>)
    %dma_start3A_672 = arith.constant 24 : i32
    %dma_start3A_673 = arith.constant 0 : i32
    %dma_start3A_674 = tpu.memref_slice %arg5[%dma_start3A_672, %dma_start3A_673] : memref<28x112xi32, #tpu.memory_space<vmem>> -> memref<1x112xi32, #tpu.memory_space<vmem>>
    %dma_start3A_675 = tpu.memref_squeeze %dma_start3A_674 : memref<1x112xi32, #tpu.memory_space<vmem>> -> memref<112xi32, #tpu.memory_space<vmem>>
    %dma_start3A_676 = arith.constant 0 : i32
    %dma_start3A_677 = arith.constant 0 : i32
    %dma_start3A_678 = tpu.memref_slice %arg6[%dma_start3A_676, %dma_start3A_677] : memref<4736x128xf32, #tpu.memory_space<vmem_shared>> -> memref<4736x128xf32, #tpu.memory_space<vmem_shared>>
    tpu.enqueue_indirect_dma source(%dma_start3A_678 : memref<4736x128xf32, #tpu.memory_space<vmem_shared>>) target(%arg7 : memref<112x128xf32, #tpu.memory_space<vmem>>) offsets(%dma_start3A_675 : memref<112xi32, #tpu.memory_space<vmem>>) semaphore(%arg11 : memref<!tpu.dma_semaphore, #tpu.memory_space<semaphore_mem>>)
    %dma_wait3A_679 = arith.constant 21 : i32
    %dma_wait3A_680 = arith.constant 0 : i32
    %dma_wait3A_681 = tpu.memref_slice %arg5[%dma_wait3A_679, %dma_wait3A_680] : memref<28x112xi32, #tpu.memory_space<vmem>> -> memref<1x112xi32, #tpu.memory_space<vmem>>
    %dma_wait3A_682 = tpu.memref_squeeze %dma_wait3A_681 : memref<1x112xi32, #tpu.memory_space<vmem>> -> memref<112xi32, #tpu.memory_space<vmem>>
    %dma_wait3A_683 = arith.constant 0 : i32
    %dma_wait3A_684 = arith.constant 0 : i32
    %dma_wait3A_685 = tpu.memref_slice %arg6[%dma_wait3A_683, %dma_wait3A_684] : memref<4736x128xf32, #tpu.memory_space<vmem_shared>> -> memref<4736x128xf32, #tpu.memory_space<vmem_shared>>
    tpu.wait_indirect_dma semaphore(%arg12 : memref<!tpu.dma_semaphore, #tpu.memory_space<semaphore_mem>>) src(%dma_wait3A_685 : memref<4736x128xf32, #tpu.memory_space<vmem_shared>>) dst(%arg8 : memref<112x128xf32, #tpu.memory_space<vmem>>)
    %mul3A_686 = arith.constant 28 : i32
    %mul3A_687 = arith.muli %add3A, %mul3A_686 : i32
    %add3A_688 = arith.constant 21 : i32
    %add3A_689 = arith.addi %mul3A_687, %add3A_688 : i32
    %mul3A_690 = arith.constant 112 : i32
    %mul3A_691 = arith.muli %add3A_689, %mul3A_690 : i32
    %min3A_692 = arith.constant 99888 : i32
    %min3A_693 = arith.minsi %mul3A_691, %min3A_692 : i32
    %multiple_of3A_694 = tpu.assume_multiple %min3A_693, 8 : i32
    %dma_start3A_695 = arith.constant 0 : i32
    %dma_start3A_696 = tpu.memref_slice %arg4[%multiple_of3A_694, %dma_start3A_695] : memref<100000x128xf32, #tpu.memory_space<hbm>> -> memref<112x128xf32, #tpu.memory_space<hbm>>
    %dma_start3A_697 = arith.constant 0 : i32
    %dma_start3A_698 = tpu.memref_slice %arg4[%multiple_of3A_694, %dma_start3A_697] : memref<100000x128xf32, #tpu.memory_space<hbm>> -> memref<112x128xf32, #tpu.memory_space<hbm>>
    tpu.enqueue_dma source(%arg8 : memref<112x128xf32, #tpu.memory_space<vmem>>) target(%dma_start3A_698 : memref<112x128xf32, #tpu.memory_space<hbm>>) target_semaphore(%arg16 : memref<!tpu.dma_semaphore, #tpu.memory_space<semaphore_mem>>)
    %dma_wait3A_699 = arith.constant 0 : i32
    %dma_wait3A_700 = tpu.memref_slice %arg4[%multiple_of3A_694, %dma_wait3A_699] : memref<100000x128xf32, #tpu.memory_space<hbm>> -> memref<112x128xf32, #tpu.memory_space<hbm>>
    %dma_wait3A_701 = arith.constant 0 : i32
    %dma_wait3A_702 = tpu.memref_slice %arg4[%multiple_of3A_694, %dma_wait3A_701] : memref<100000x128xf32, #tpu.memory_space<hbm>> -> memref<112x128xf32, #tpu.memory_space<hbm>>
    tpu.wait_dma2 semaphore(%arg16 : memref<!tpu.dma_semaphore, #tpu.memory_space<semaphore_mem>>) src(%arg8 : memref<112x128xf32, #tpu.memory_space<vmem>>) dst(%dma_wait3A_702 : memref<112x128xf32, #tpu.memory_space<hbm>>)
    %dma_start3A_703 = arith.constant 25 : i32
    %dma_start3A_704 = arith.constant 0 : i32
    %dma_start3A_705 = tpu.memref_slice %arg5[%dma_start3A_703, %dma_start3A_704] : memref<28x112xi32, #tpu.memory_space<vmem>> -> memref<1x112xi32, #tpu.memory_space<vmem>>
    %dma_start3A_706 = tpu.memref_squeeze %dma_start3A_705 : memref<1x112xi32, #tpu.memory_space<vmem>> -> memref<112xi32, #tpu.memory_space<vmem>>
    %dma_start3A_707 = arith.constant 0 : i32
    %dma_start3A_708 = arith.constant 0 : i32
    %dma_start3A_709 = tpu.memref_slice %arg6[%dma_start3A_707, %dma_start3A_708] : memref<4736x128xf32, #tpu.memory_space<vmem_shared>> -> memref<4736x128xf32, #tpu.memory_space<vmem_shared>>
    tpu.enqueue_indirect_dma source(%dma_start3A_709 : memref<4736x128xf32, #tpu.memory_space<vmem_shared>>) target(%arg8 : memref<112x128xf32, #tpu.memory_space<vmem>>) offsets(%dma_start3A_706 : memref<112xi32, #tpu.memory_space<vmem>>) semaphore(%arg12 : memref<!tpu.dma_semaphore, #tpu.memory_space<semaphore_mem>>)
    %dma_wait3A_710 = arith.constant 22 : i32
    %dma_wait3A_711 = arith.constant 0 : i32
    %dma_wait3A_712 = tpu.memref_slice %arg5[%dma_wait3A_710, %dma_wait3A_711] : memref<28x112xi32, #tpu.memory_space<vmem>> -> memref<1x112xi32, #tpu.memory_space<vmem>>
    %dma_wait3A_713 = tpu.memref_squeeze %dma_wait3A_712 : memref<1x112xi32, #tpu.memory_space<vmem>> -> memref<112xi32, #tpu.memory_space<vmem>>
    %dma_wait3A_714 = arith.constant 0 : i32
    %dma_wait3A_715 = arith.constant 0 : i32
    %dma_wait3A_716 = tpu.memref_slice %arg6[%dma_wait3A_714, %dma_wait3A_715] : memref<4736x128xf32, #tpu.memory_space<vmem_shared>> -> memref<4736x128xf32, #tpu.memory_space<vmem_shared>>
    tpu.wait_indirect_dma semaphore(%arg13 : memref<!tpu.dma_semaphore, #tpu.memory_space<semaphore_mem>>) src(%dma_wait3A_716 : memref<4736x128xf32, #tpu.memory_space<vmem_shared>>) dst(%arg9 : memref<112x128xf32, #tpu.memory_space<vmem>>)
    %mul3A_717 = arith.constant 28 : i32
    %mul3A_718 = arith.muli %add3A, %mul3A_717 : i32
    %add3A_719 = arith.constant 22 : i32
    %add3A_720 = arith.addi %mul3A_718, %add3A_719 : i32
    %mul3A_721 = arith.constant 112 : i32
    %mul3A_722 = arith.muli %add3A_720, %mul3A_721 : i32
    %min3A_723 = arith.constant 99888 : i32
    %min3A_724 = arith.minsi %mul3A_722, %min3A_723 : i32
    %multiple_of3A_725 = tpu.assume_multiple %min3A_724, 8 : i32
    %dma_start3A_726 = arith.constant 0 : i32
    %dma_start3A_727 = tpu.memref_slice %arg4[%multiple_of3A_725, %dma_start3A_726] : memref<100000x128xf32, #tpu.memory_space<hbm>> -> memref<112x128xf32, #tpu.memory_space<hbm>>
    %dma_start3A_728 = arith.constant 0 : i32
    %dma_start3A_729 = tpu.memref_slice %arg4[%multiple_of3A_725, %dma_start3A_728] : memref<100000x128xf32, #tpu.memory_space<hbm>> -> memref<112x128xf32, #tpu.memory_space<hbm>>
    tpu.enqueue_dma source(%arg9 : memref<112x128xf32, #tpu.memory_space<vmem>>) target(%dma_start3A_729 : memref<112x128xf32, #tpu.memory_space<hbm>>) target_semaphore(%arg17 : memref<!tpu.dma_semaphore, #tpu.memory_space<semaphore_mem>>)
    %dma_wait3A_730 = arith.constant 0 : i32
    %dma_wait3A_731 = tpu.memref_slice %arg4[%multiple_of3A_725, %dma_wait3A_730] : memref<100000x128xf32, #tpu.memory_space<hbm>> -> memref<112x128xf32, #tpu.memory_space<hbm>>
    %dma_wait3A_732 = arith.constant 0 : i32
    %dma_wait3A_733 = tpu.memref_slice %arg4[%multiple_of3A_725, %dma_wait3A_732] : memref<100000x128xf32, #tpu.memory_space<hbm>> -> memref<112x128xf32, #tpu.memory_space<hbm>>
    tpu.wait_dma2 semaphore(%arg17 : memref<!tpu.dma_semaphore, #tpu.memory_space<semaphore_mem>>) src(%arg9 : memref<112x128xf32, #tpu.memory_space<vmem>>) dst(%dma_wait3A_733 : memref<112x128xf32, #tpu.memory_space<hbm>>)
    %dma_start3A_734 = arith.constant 26 : i32
    %dma_start3A_735 = arith.constant 0 : i32
    %dma_start3A_736 = tpu.memref_slice %arg5[%dma_start3A_734, %dma_start3A_735] : memref<28x112xi32, #tpu.memory_space<vmem>> -> memref<1x112xi32, #tpu.memory_space<vmem>>
    %dma_start3A_737 = tpu.memref_squeeze %dma_start3A_736 : memref<1x112xi32, #tpu.memory_space<vmem>> -> memref<112xi32, #tpu.memory_space<vmem>>
    %dma_start3A_738 = arith.constant 0 : i32
    %dma_start3A_739 = arith.constant 0 : i32
    %dma_start3A_740 = tpu.memref_slice %arg6[%dma_start3A_738, %dma_start3A_739] : memref<4736x128xf32, #tpu.memory_space<vmem_shared>> -> memref<4736x128xf32, #tpu.memory_space<vmem_shared>>
    tpu.enqueue_indirect_dma source(%dma_start3A_740 : memref<4736x128xf32, #tpu.memory_space<vmem_shared>>) target(%arg9 : memref<112x128xf32, #tpu.memory_space<vmem>>) offsets(%dma_start3A_737 : memref<112xi32, #tpu.memory_space<vmem>>) semaphore(%arg13 : memref<!tpu.dma_semaphore, #tpu.memory_space<semaphore_mem>>)
    %dma_wait3A_741 = arith.constant 23 : i32
    %dma_wait3A_742 = arith.constant 0 : i32
    %dma_wait3A_743 = tpu.memref_slice %arg5[%dma_wait3A_741, %dma_wait3A_742] : memref<28x112xi32, #tpu.memory_space<vmem>> -> memref<1x112xi32, #tpu.memory_space<vmem>>
    %dma_wait3A_744 = tpu.memref_squeeze %dma_wait3A_743 : memref<1x112xi32, #tpu.memory_space<vmem>> -> memref<112xi32, #tpu.memory_space<vmem>>
    %dma_wait3A_745 = arith.constant 0 : i32
    %dma_wait3A_746 = arith.constant 0 : i32
    %dma_wait3A_747 = tpu.memref_slice %arg6[%dma_wait3A_745, %dma_wait3A_746] : memref<4736x128xf32, #tpu.memory_space<vmem_shared>> -> memref<4736x128xf32, #tpu.memory_space<vmem_shared>>
    tpu.wait_indirect_dma semaphore(%arg14 : memref<!tpu.dma_semaphore, #tpu.memory_space<semaphore_mem>>) src(%dma_wait3A_747 : memref<4736x128xf32, #tpu.memory_space<vmem_shared>>) dst(%arg10 : memref<112x128xf32, #tpu.memory_space<vmem>>)
    %mul3A_748 = arith.constant 28 : i32
    %mul3A_749 = arith.muli %add3A, %mul3A_748 : i32
    %add3A_750 = arith.constant 23 : i32
    %add3A_751 = arith.addi %mul3A_749, %add3A_750 : i32
    %mul3A_752 = arith.constant 112 : i32
    %mul3A_753 = arith.muli %add3A_751, %mul3A_752 : i32
    %min3A_754 = arith.constant 99888 : i32
    %min3A_755 = arith.minsi %mul3A_753, %min3A_754 : i32
    %multiple_of3A_756 = tpu.assume_multiple %min3A_755, 8 : i32
    %dma_start3A_757 = arith.constant 0 : i32
    %dma_start3A_758 = tpu.memref_slice %arg4[%multiple_of3A_756, %dma_start3A_757] : memref<100000x128xf32, #tpu.memory_space<hbm>> -> memref<112x128xf32, #tpu.memory_space<hbm>>
    %dma_start3A_759 = arith.constant 0 : i32
    %dma_start3A_760 = tpu.memref_slice %arg4[%multiple_of3A_756, %dma_start3A_759] : memref<100000x128xf32, #tpu.memory_space<hbm>> -> memref<112x128xf32, #tpu.memory_space<hbm>>
    tpu.enqueue_dma source(%arg10 : memref<112x128xf32, #tpu.memory_space<vmem>>) target(%dma_start3A_760 : memref<112x128xf32, #tpu.memory_space<hbm>>) target_semaphore(%arg18 : memref<!tpu.dma_semaphore, #tpu.memory_space<semaphore_mem>>)
    %dma_wait3A_761 = arith.constant 0 : i32
    %dma_wait3A_762 = tpu.memref_slice %arg4[%multiple_of3A_756, %dma_wait3A_761] : memref<100000x128xf32, #tpu.memory_space<hbm>> -> memref<112x128xf32, #tpu.memory_space<hbm>>
    %dma_wait3A_763 = arith.constant 0 : i32
    %dma_wait3A_764 = tpu.memref_slice %arg4[%multiple_of3A_756, %dma_wait3A_763] : memref<100000x128xf32, #tpu.memory_space<hbm>> -> memref<112x128xf32, #tpu.memory_space<hbm>>
    tpu.wait_dma2 semaphore(%arg18 : memref<!tpu.dma_semaphore, #tpu.memory_space<semaphore_mem>>) src(%arg10 : memref<112x128xf32, #tpu.memory_space<vmem>>) dst(%dma_wait3A_764 : memref<112x128xf32, #tpu.memory_space<hbm>>)
    %dma_start3A_765 = arith.constant 27 : i32
    %dma_start3A_766 = arith.constant 0 : i32
    %dma_start3A_767 = tpu.memref_slice %arg5[%dma_start3A_765, %dma_start3A_766] : memref<28x112xi32, #tpu.memory_space<vmem>> -> memref<1x112xi32, #tpu.memory_space<vmem>>
    %dma_start3A_768 = tpu.memref_squeeze %dma_start3A_767 : memref<1x112xi32, #tpu.memory_space<vmem>> -> memref<112xi32, #tpu.memory_space<vmem>>
    %dma_start3A_769 = arith.constant 0 : i32
    %dma_start3A_770 = arith.constant 0 : i32
    %dma_start3A_771 = tpu.memref_slice %arg6[%dma_start3A_769, %dma_start3A_770] : memref<4736x128xf32, #tpu.memory_space<vmem_shared>> -> memref<4736x128xf32, #tpu.memory_space<vmem_shared>>
    tpu.enqueue_indirect_dma source(%dma_start3A_771 : memref<4736x128xf32, #tpu.memory_space<vmem_shared>>) target(%arg10 : memref<112x128xf32, #tpu.memory_space<vmem>>) offsets(%dma_start3A_768 : memref<112xi32, #tpu.memory_space<vmem>>) semaphore(%arg14 : memref<!tpu.dma_semaphore, #tpu.memory_space<semaphore_mem>>)
    %dma_wait3A_772 = arith.constant 24 : i32
    %dma_wait3A_773 = arith.constant 0 : i32
    %dma_wait3A_774 = tpu.memref_slice %arg5[%dma_wait3A_772, %dma_wait3A_773] : memref<28x112xi32, #tpu.memory_space<vmem>> -> memref<1x112xi32, #tpu.memory_space<vmem>>
    %dma_wait3A_775 = tpu.memref_squeeze %dma_wait3A_774 : memref<1x112xi32, #tpu.memory_space<vmem>> -> memref<112xi32, #tpu.memory_space<vmem>>
    %dma_wait3A_776 = arith.constant 0 : i32
    %dma_wait3A_777 = arith.constant 0 : i32
    %dma_wait3A_778 = tpu.memref_slice %arg6[%dma_wait3A_776, %dma_wait3A_777] : memref<4736x128xf32, #tpu.memory_space<vmem_shared>> -> memref<4736x128xf32, #tpu.memory_space<vmem_shared>>
    tpu.wait_indirect_dma semaphore(%arg11 : memref<!tpu.dma_semaphore, #tpu.memory_space<semaphore_mem>>) src(%dma_wait3A_778 : memref<4736x128xf32, #tpu.memory_space<vmem_shared>>) dst(%arg7 : memref<112x128xf32, #tpu.memory_space<vmem>>)
    %mul3A_779 = arith.constant 28 : i32
    %mul3A_780 = arith.muli %add3A, %mul3A_779 : i32
    %add3A_781 = arith.constant 24 : i32
    %add3A_782 = arith.addi %mul3A_780, %add3A_781 : i32
    %mul3A_783 = arith.constant 112 : i32
    %mul3A_784 = arith.muli %add3A_782, %mul3A_783 : i32
    %min3A_785 = arith.constant 99888 : i32
    %min3A_786 = arith.minsi %mul3A_784, %min3A_785 : i32
    %multiple_of3A_787 = tpu.assume_multiple %min3A_786, 8 : i32
    %dma_start3A_788 = arith.constant 0 : i32
    %dma_start3A_789 = tpu.memref_slice %arg4[%multiple_of3A_787, %dma_start3A_788] : memref<100000x128xf32, #tpu.memory_space<hbm>> -> memref<112x128xf32, #tpu.memory_space<hbm>>
    %dma_start3A_790 = arith.constant 0 : i32
    %dma_start3A_791 = tpu.memref_slice %arg4[%multiple_of3A_787, %dma_start3A_790] : memref<100000x128xf32, #tpu.memory_space<hbm>> -> memref<112x128xf32, #tpu.memory_space<hbm>>
    tpu.enqueue_dma source(%arg7 : memref<112x128xf32, #tpu.memory_space<vmem>>) target(%dma_start3A_791 : memref<112x128xf32, #tpu.memory_space<hbm>>) target_semaphore(%arg15 : memref<!tpu.dma_semaphore, #tpu.memory_space<semaphore_mem>>)
    %dma_wait3A_792 = arith.constant 25 : i32
    %dma_wait3A_793 = arith.constant 0 : i32
    %dma_wait3A_794 = tpu.memref_slice %arg5[%dma_wait3A_792, %dma_wait3A_793] : memref<28x112xi32, #tpu.memory_space<vmem>> -> memref<1x112xi32, #tpu.memory_space<vmem>>
    %dma_wait3A_795 = tpu.memref_squeeze %dma_wait3A_794 : memref<1x112xi32, #tpu.memory_space<vmem>> -> memref<112xi32, #tpu.memory_space<vmem>>
    %dma_wait3A_796 = arith.constant 0 : i32
    %dma_wait3A_797 = arith.constant 0 : i32
    %dma_wait3A_798 = tpu.memref_slice %arg6[%dma_wait3A_796, %dma_wait3A_797] : memref<4736x128xf32, #tpu.memory_space<vmem_shared>> -> memref<4736x128xf32, #tpu.memory_space<vmem_shared>>
    tpu.wait_indirect_dma semaphore(%arg12 : memref<!tpu.dma_semaphore, #tpu.memory_space<semaphore_mem>>) src(%dma_wait3A_798 : memref<4736x128xf32, #tpu.memory_space<vmem_shared>>) dst(%arg8 : memref<112x128xf32, #tpu.memory_space<vmem>>)
    %mul3A_799 = arith.constant 28 : i32
    %mul3A_800 = arith.muli %add3A, %mul3A_799 : i32
    %add3A_801 = arith.constant 25 : i32
    %add3A_802 = arith.addi %mul3A_800, %add3A_801 : i32
    %mul3A_803 = arith.constant 112 : i32
    %mul3A_804 = arith.muli %add3A_802, %mul3A_803 : i32
    %min3A_805 = arith.constant 99888 : i32
    %min3A_806 = arith.minsi %mul3A_804, %min3A_805 : i32
    %multiple_of3A_807 = tpu.assume_multiple %min3A_806, 8 : i32
    %dma_start3A_808 = arith.constant 0 : i32
    %dma_start3A_809 = tpu.memref_slice %arg4[%multiple_of3A_807, %dma_start3A_808] : memref<100000x128xf32, #tpu.memory_space<hbm>> -> memref<112x128xf32, #tpu.memory_space<hbm>>
    %dma_start3A_810 = arith.constant 0 : i32
    %dma_start3A_811 = tpu.memref_slice %arg4[%multiple_of3A_807, %dma_start3A_810] : memref<100000x128xf32, #tpu.memory_space<hbm>> -> memref<112x128xf32, #tpu.memory_space<hbm>>
    tpu.enqueue_dma source(%arg8 : memref<112x128xf32, #tpu.memory_space<vmem>>) target(%dma_start3A_811 : memref<112x128xf32, #tpu.memory_space<hbm>>) target_semaphore(%arg16 : memref<!tpu.dma_semaphore, #tpu.memory_space<semaphore_mem>>)
    %dma_wait3A_812 = arith.constant 26 : i32
    %dma_wait3A_813 = arith.constant 0 : i32
    %dma_wait3A_814 = tpu.memref_slice %arg5[%dma_wait3A_812, %dma_wait3A_813] : memref<28x112xi32, #tpu.memory_space<vmem>> -> memref<1x112xi32, #tpu.memory_space<vmem>>
    %dma_wait3A_815 = tpu.memref_squeeze %dma_wait3A_814 : memref<1x112xi32, #tpu.memory_space<vmem>> -> memref<112xi32, #tpu.memory_space<vmem>>
    %dma_wait3A_816 = arith.constant 0 : i32
    %dma_wait3A_817 = arith.constant 0 : i32
    %dma_wait3A_818 = tpu.memref_slice %arg6[%dma_wait3A_816, %dma_wait3A_817] : memref<4736x128xf32, #tpu.memory_space<vmem_shared>> -> memref<4736x128xf32, #tpu.memory_space<vmem_shared>>
    tpu.wait_indirect_dma semaphore(%arg13 : memref<!tpu.dma_semaphore, #tpu.memory_space<semaphore_mem>>) src(%dma_wait3A_818 : memref<4736x128xf32, #tpu.memory_space<vmem_shared>>) dst(%arg9 : memref<112x128xf32, #tpu.memory_space<vmem>>)
    %mul3A_819 = arith.constant 28 : i32
    %mul3A_820 = arith.muli %add3A, %mul3A_819 : i32
    %add3A_821 = arith.constant 26 : i32
    %add3A_822 = arith.addi %mul3A_820, %add3A_821 : i32
    %mul3A_823 = arith.constant 112 : i32
    %mul3A_824 = arith.muli %add3A_822, %mul3A_823 : i32
    %min3A_825 = arith.constant 99888 : i32
    %min3A_826 = arith.minsi %mul3A_824, %min3A_825 : i32
    %multiple_of3A_827 = tpu.assume_multiple %min3A_826, 8 : i32
    %dma_start3A_828 = arith.constant 0 : i32
    %dma_start3A_829 = tpu.memref_slice %arg4[%multiple_of3A_827, %dma_start3A_828] : memref<100000x128xf32, #tpu.memory_space<hbm>> -> memref<112x128xf32, #tpu.memory_space<hbm>>
    %dma_start3A_830 = arith.constant 0 : i32
    %dma_start3A_831 = tpu.memref_slice %arg4[%multiple_of3A_827, %dma_start3A_830] : memref<100000x128xf32, #tpu.memory_space<hbm>> -> memref<112x128xf32, #tpu.memory_space<hbm>>
    tpu.enqueue_dma source(%arg9 : memref<112x128xf32, #tpu.memory_space<vmem>>) target(%dma_start3A_831 : memref<112x128xf32, #tpu.memory_space<hbm>>) target_semaphore(%arg17 : memref<!tpu.dma_semaphore, #tpu.memory_space<semaphore_mem>>)
    %dma_wait3A_832 = arith.constant 27 : i32
    %dma_wait3A_833 = arith.constant 0 : i32
    %dma_wait3A_834 = tpu.memref_slice %arg5[%dma_wait3A_832, %dma_wait3A_833] : memref<28x112xi32, #tpu.memory_space<vmem>> -> memref<1x112xi32, #tpu.memory_space<vmem>>
    %dma_wait3A_835 = tpu.memref_squeeze %dma_wait3A_834 : memref<1x112xi32, #tpu.memory_space<vmem>> -> memref<112xi32, #tpu.memory_space<vmem>>
    %dma_wait3A_836 = arith.constant 0 : i32
    %dma_wait3A_837 = arith.constant 0 : i32
    %dma_wait3A_838 = tpu.memref_slice %arg6[%dma_wait3A_836, %dma_wait3A_837] : memref<4736x128xf32, #tpu.memory_space<vmem_shared>> -> memref<4736x128xf32, #tpu.memory_space<vmem_shared>>
    tpu.wait_indirect_dma semaphore(%arg14 : memref<!tpu.dma_semaphore, #tpu.memory_space<semaphore_mem>>) src(%dma_wait3A_838 : memref<4736x128xf32, #tpu.memory_space<vmem_shared>>) dst(%arg10 : memref<112x128xf32, #tpu.memory_space<vmem>>)
    %mul3A_839 = arith.constant 28 : i32
    %mul3A_840 = arith.muli %add3A, %mul3A_839 : i32
    %add3A_841 = arith.constant 27 : i32
    %add3A_842 = arith.addi %mul3A_840, %add3A_841 : i32
    %mul3A_843 = arith.constant 112 : i32
    %mul3A_844 = arith.muli %add3A_842, %mul3A_843 : i32
    %min3A_845 = arith.constant 99888 : i32
    %min3A_846 = arith.minsi %mul3A_844, %min3A_845 : i32
    %multiple_of3A_847 = tpu.assume_multiple %min3A_846, 8 : i32
    %dma_start3A_848 = arith.constant 0 : i32
    %dma_start3A_849 = tpu.memref_slice %arg4[%multiple_of3A_847, %dma_start3A_848] : memref<100000x128xf32, #tpu.memory_space<hbm>> -> memref<112x128xf32, #tpu.memory_space<hbm>>
    %dma_start3A_850 = arith.constant 0 : i32
    %dma_start3A_851 = tpu.memref_slice %arg4[%multiple_of3A_847, %dma_start3A_850] : memref<100000x128xf32, #tpu.memory_space<hbm>> -> memref<112x128xf32, #tpu.memory_space<hbm>>
    tpu.enqueue_dma source(%arg10 : memref<112x128xf32, #tpu.memory_space<vmem>>) target(%dma_start3A_851 : memref<112x128xf32, #tpu.memory_space<hbm>>) target_semaphore(%arg18 : memref<!tpu.dma_semaphore, #tpu.memory_space<semaphore_mem>>)
    %dma_wait3A_852 = arith.constant 0 : i32
    %dma_wait3A_853 = tpu.memref_slice %arg4[%multiple_of3A_787, %dma_wait3A_852] : memref<100000x128xf32, #tpu.memory_space<hbm>> -> memref<112x128xf32, #tpu.memory_space<hbm>>
    %dma_wait3A_854 = arith.constant 0 : i32
    %dma_wait3A_855 = tpu.memref_slice %arg4[%multiple_of3A_787, %dma_wait3A_854] : memref<100000x128xf32, #tpu.memory_space<hbm>> -> memref<112x128xf32, #tpu.memory_space<hbm>>
    tpu.wait_dma2 semaphore(%arg15 : memref<!tpu.dma_semaphore, #tpu.memory_space<semaphore_mem>>) src(%arg7 : memref<112x128xf32, #tpu.memory_space<vmem>>) dst(%dma_wait3A_855 : memref<112x128xf32, #tpu.memory_space<hbm>>)
    %dma_wait3A_856 = arith.constant 0 : i32
    %dma_wait3A_857 = tpu.memref_slice %arg4[%multiple_of3A_807, %dma_wait3A_856] : memref<100000x128xf32, #tpu.memory_space<hbm>> -> memref<112x128xf32, #tpu.memory_space<hbm>>
    %dma_wait3A_858 = arith.constant 0 : i32
    %dma_wait3A_859 = tpu.memref_slice %arg4[%multiple_of3A_807, %dma_wait3A_858] : memref<100000x128xf32, #tpu.memory_space<hbm>> -> memref<112x128xf32, #tpu.memory_space<hbm>>
    tpu.wait_dma2 semaphore(%arg16 : memref<!tpu.dma_semaphore, #tpu.memory_space<semaphore_mem>>) src(%arg8 : memref<112x128xf32, #tpu.memory_space<vmem>>) dst(%dma_wait3A_859 : memref<112x128xf32, #tpu.memory_space<hbm>>)
    %dma_wait3A_860 = arith.constant 0 : i32
    %dma_wait3A_861 = tpu.memref_slice %arg4[%multiple_of3A_827, %dma_wait3A_860] : memref<100000x128xf32, #tpu.memory_space<hbm>> -> memref<112x128xf32, #tpu.memory_space<hbm>>
    %dma_wait3A_862 = arith.constant 0 : i32
    %dma_wait3A_863 = tpu.memref_slice %arg4[%multiple_of3A_827, %dma_wait3A_862] : memref<100000x128xf32, #tpu.memory_space<hbm>> -> memref<112x128xf32, #tpu.memory_space<hbm>>
    tpu.wait_dma2 semaphore(%arg17 : memref<!tpu.dma_semaphore, #tpu.memory_space<semaphore_mem>>) src(%arg9 : memref<112x128xf32, #tpu.memory_space<vmem>>) dst(%dma_wait3A_863 : memref<112x128xf32, #tpu.memory_space<hbm>>)
    %dma_wait3A_864 = arith.constant 0 : i32
    %dma_wait3A_865 = tpu.memref_slice %arg4[%multiple_of3A_847, %dma_wait3A_864] : memref<100000x128xf32, #tpu.memory_space<hbm>> -> memref<112x128xf32, #tpu.memory_space<hbm>>
    %dma_wait3A_866 = arith.constant 0 : i32
    %dma_wait3A_867 = tpu.memref_slice %arg4[%multiple_of3A_847, %dma_wait3A_866] : memref<100000x128xf32, #tpu.memory_space<hbm>> -> memref<112x128xf32, #tpu.memory_space<hbm>>
    tpu.wait_dma2 semaphore(%arg18 : memref<!tpu.dma_semaphore, #tpu.memory_space<semaphore_mem>>) src(%arg10 : memref<112x128xf32, #tpu.memory_space<vmem>>) dst(%dma_wait3A_867 : memref<112x128xf32, #tpu.memory_space<hbm>>)
    return
  }
}

</mosaic_0001>

<sc_bundles>
// kernel: kernel.3.cloned.1.call-start
scs
__scs_entry_jumppad:
0x0: {  	(pc) =	sbr.rel $0x88, $3  }
0x1: {  	(tag) =	ssettag $0x0;
	lr =	simm.s32 $0x1  }
0x2: {  	[smem:$0x3F9F] =	sst lr;
	_ =	strace $0xD0000000  }
0x3: {  	_ = 	snop  }
0x4: {  	_ = 	snop  }
0x5: {  	_ = 	snop  }
0x6: {  	_ = 	snop  }
0x7: {  	_ = 	snop  }
__scs_overlays_trampoline_lowered:
0x8: {  	[smem:$0x3FAE] =	sst s0  }
0x9: {  	[smem:$0x3FAF] =	sst s1  }
0xa: {  	[smem:$0x3FB0] =	sst s2  }
0xb: {  	[smem:$0x3FB1] =	sst s3  }
0xc: {  	[smem:$0x3FB2] =	sst s4  }
0xd: {  	[smem:$0x3FB3] =	sst s5  }
0xe: {  	[smem:$0x3FB4] =	sst s6  }
0xf: {  	[smem:$0x3FB5] =	sst s7  }
0x10: {  	[smem:$0x3FB6] =	sst s8  }
0x11: {  	[smem:$0x3FB7] =	sst s9;
	s0 =	simm.s32 @!p0 $0x0  }
0x12: {  	s1 =	sld [smem:$0x3F9D];
	s0 =	simm.s32 @p0 $0x1  }
0x13: {  	[smem:$0x3FB8] =	sst s0;
	s0 =	simm.s32 @!p1 $0x0  }
0x14: {  	s2 =	sld [smem:$0x3F9C];
	s0 =	simm.s32 @p1 $0x1  }
0x15: {  	[smem:$0x3FB9] =	sst s0;
	s0 =	simm.s32 @!p2 $0x0  }
0x16: {  	s3 =	sld [smem:$0x3FDB];
	s0 =	simm.s32 @p2 $0x1  }
0x17: {  	s4 =	simm.s32 $0x1BF5;
	[smem:$0x3FBB] =	sst s0  }
0x18: {  	s0 =	sld [smem:$0x3F9E];
	_ =	swait.ge [sflag:s4], $0x0  }
0x19: {  	s7 =	sld [smem:$0x3F9F]  }
0x1a: {  	s8 =	sadd.s32 $0xFFFFE003, lr  }
0x1b: {  	s9 =	sadd.s32 $0xFFFFFEF7, lr;
	s5 =	simm.s32 $0xFFFFFFFF;
	p2 =	slt.u32 s8, $0xFFFFF086  }
0x1c: {  	p1 =	slt.u32 s9, $0xF7A;
	s5 =	simm.s32 @!p2 $0x0  }
0x1d: {  	s5 =	simm.s32 @p1 $0x1;
	p0 =	seq.s32 s7, s2  }
0x1e: {  	s7 =	smul.u32 @!p0 $0xF7A, s2;
	p2 =	seq.s32 @!p0 s5, $0x0  }
0x1f: {  	s9 =	smul.u32 $0xF7A, s1;
	s8 =	simm.s32 @!p0 $0x1BF5;
	p2 =	por !p2, p0  }
0x20: {  	[sflag:s8] =	ssyncset.s32 @!p0 $0xFFFFF086;
	s6 =	sadd.s32 @!p0 s3, s7;
	s7 =	simm.s32 @!p0 $0x108  }
0x21: {  	s3 =	sadd.s32 s3, s9;
	s6 =	sadd.s32 @!p0 $0x88, s6;
	s7 =	simm.s32 @p2 $0x1082  }
0x22: {  	[simem:s7], [sflag:s8] =	dma.local @!p0 [hbm:s6], $0xF7A  }
0x23: {  	s9 =	sor.u32 $0xD0000000, s2;
	s6 =	simm.s32 $0x108;
	_ =	swait.ge @!p0 [sflag:s8], $0x0  }
0x24: {  	s3 =	sadd.s32 $0x88, s3;
	s6 =	simm.s32 @!p1 $0x1082;
	[sflag:s4] =	ssyncset.s32 $0xFFFFF086  }
0x25: {  	[simem:s6], [sflag:s4] =	dma.local [hbm:s3], $0xF7A  }
0x26: {  	[smem:$0x3F9F] =	sst s1;
	(tag) =	ssettag s2;
	_ =	strace s9  }
0x27: {  	s1 =	sld [smem:$0x3FAF]  }
0x28: {  	s2 =	sld [smem:$0x3FB0]  }
0x29: {  	s4 =	sld [smem:$0x3FB2]  }
0x2a: {  	p0 =	seq.s32 s5, $0x0;
	s5 =	sld [smem:$0x3FB3]  }
0x2b: {  	s6 =	sld [smem:$0x3FB4]  }
0x2c: {  	s7 =	sld [smem:$0x3FB5]  }
0x2d: {  	s3 =	simm.s32 $0x108;
	s8 =	sld [smem:$0x3FB6]  }
0x2e: {  	s3 =	simm.s32 @!p0 $0x1082;
	s9 =	sld [smem:$0x3FB7]  }
0x2f: {  	lr =	sadd.s32 s0, s3;
	s0 =	sld [smem:$0x3FAE]  }
0x30: {  	s3 =	sld [smem:$0x3FB1]  }
0x31: {  	[smem:$0x3FBA] =	sst s10  }
0x32: {  	s10 =	sld [smem:$0x3FB8];
	_ =	sdelay $0x3  }
0x33: {  	p0 =	seq.s32 s10, $0x1;
	s10 =	sld [smem:$0x3FBA];
	_ =	sdelay $0x3  }
0x34: {  	[smem:$0x3FBA] =	sst s10  }
0x35: {  	s10 =	sld [smem:$0x3FB9];
	_ =	sdelay $0x3  }
0x36: {  	p1 =	seq.s32 s10, $0x1;
	s10 =	sld [smem:$0x3FBA];
	_ =	sdelay $0x3  }
0x37: {  	[smem:$0x3FBA] =	sst s10  }
0x38: {  	s10 =	sld [smem:$0x3FBB]  }
0x39: {  	_ = 	snop;
	(pc) =	sbr.ind lr, $3  }
0x3a: {  	_ = 	snop  }
0x3b: {  	_ = 	snop  }
0x3c: {  	p2 =	seq.s32 s10, $0x1;
	s10 =	sld [smem:$0x3FBA]  }
0x3d: {  	_ =	shalt  }
0x3e: {  	_ =	shalt  }
0x3f: {  	_ =	shalt  }
0x40: {  	_ =	shalt  }
0x41: {  	_ =	shalt  }
0x42: {  	_ =	shalt  }
0x43: {  	_ =	shalt  }
0x44: {  	_ =	shalt  }
0x45: {  	_ =	shalt  }
0x46: {  	_ =	shalt  }
0x47: {  	_ =	shalt  }
0x48: {  	_ =	shalt  }
0x49: {  	_ =	shalt  }
0x4a: {  	_ =	shalt  }
0x4b: {  	_ =	shalt  }
0x4c: {  	_ =	shalt  }
0x4d: {  	_ =	shalt  }
0x4e: {  	_ =	shalt  }
0x4f: {  	_ =	shalt  }
0x50: {  	_ =	shalt  }
0x51: {  	_ =	shalt  }
0x52: {  	_ =	shalt  }
0x53: {  	_ =	shalt  }
0x54: {  	_ =	shalt  }
0x55: {  	_ =	shalt  }
0x56: {  	_ =	shalt  }
0x57: {  	_ =	shalt  }
0x58: {  	_ =	shalt  }
0x59: {  	_ =	shalt  }
0x5a: {  	_ =	shalt  }
0x5b: {  	_ =	shalt  }
0x5c: {  	_ =	shalt  }
0x5d: {  	_ =	shalt  }
0x5e: {  	_ =	shalt  }
0x5f: {  	_ =	shalt  }
0x60: {  	_ =	shalt  }
0x61: {  	_ =	shalt  }
0x62: {  	_ =	shalt  }
0x63: {  	_ =	shalt  }
0x64: {  	_ =	shalt  }
0x65: {  	_ =	shalt  }
0x66: {  	_ =	shalt  }
0x67: {  	_ =	shalt  }
0x68: {  	_ =	shalt  }
0x69: {  	_ =	shalt  }
0x6a: {  	_ =	shalt  }
0x6b: {  	_ =	shalt  }
0x6c: {  	_ =	shalt  }
0x6d: {  	_ =	shalt  }
0x6e: {  	_ =	shalt  }
0x6f: {  	_ =	shalt  }
0x70: {  	_ =	shalt  }
0x71: {  	_ =	shalt  }
0x72: {  	_ =	shalt  }
0x73: {  	_ =	shalt  }
0x74: {  	_ =	shalt  }
0x75: {  	_ =	shalt  }
0x76: {  	_ =	shalt  }
0x77: {  	_ =	shalt  }
0x78: {  	_ =	shalt  }
0x79: {  	_ =	shalt  }
0x7a: {  	_ =	shalt  }
0x7b: {  	_ =	shalt  }
0x7c: {  	_ =	shalt  }
0x7d: {  	_ =	shalt  }
0x7e: {  	_ =	shalt  }
0x7f: {  	_ =	shalt  }
0x80: {  	_ =	shalt  }
0x81: {  	_ =	shalt  }
0x82: {  	_ =	shalt  }
0x83: {  	_ =	shalt  }
0x84: {  	_ =	shalt  }
0x85: {  	_ =	shalt  }
0x86: {  	_ =	shalt  }
0x87: {  	_ =	shalt  }
.Lfunc_end0:
.L_simem_size_0:
called_computation_lowered:
.L_overlay_start_0:
0x88: {  	s2 =	sld [smem:$0x3FD9]  }
0x89: {  	s3 =	sld [smem:$0x3FFE];
	_ =	sdelay $0x1  }
0x8a: {  	s1 =	srdreg.scid  }
0x8b: {  	s0 =	sand.u32 $0x1, s1  }
0x8c: {  	s17 =	sshll.u32 s0, $0xA;
	s2 =	sadd.s32 s3, s2  }
0x8d: {  	s2 =	sadd.s32 s2, s17  }
0x8e: {  	[smem:$0x3FC6] =	sst s2  }
0x8f: {  	_ = 	snop  }
0x90: {  	s2 =	sld [smem:$0x3FD0];
	(tm) =	ssettm $0x1  }
0x91: {  	s18 =	sld [smem:$0x3FFB];
	_ =	sdelay $0x3  }
0x92: {  	_ =	strace s18  }
0x93: {  	s3 =	sld [smem:$0x3FFC];
	_ =	sdelay $0x3  }
0x94: {  	_ =	strace s3  }
0x95: {  	s3 =	sld [smem:$0x3FFD];
	_ =	sdelay $0x3  }
0x96: {  	_ =	strace s3  }
0x97: {  	_ =	strace $0x8FFFFFFF  }
0x98: {  	s19 =	sld [smem:$0x3FDB];
	_ =	sdelay $0x1  }
0x99: {  	s4 =	simm.s32 $_scs_section_size  }
0x9a: {  	s5 =	simm.s32 $_size__tile_overlayer_lowered;
	s6 =	simm.s32 $_tile_overlayer_lowered  }
0x9b: {  	s22 =	simm.s32 $0x1BFF;
	s21 =	sshll.u32 s6, $0x1;
	s3 =	sadd.s32 s4, s19  }
0x9c: {  	s7 =	simm.s32 $0x0;
	s20 =	sshll.u32 s5, $0x1;
	s5 =	sadd.s32 s21, s3  }
0x9d: {  	[timem:s7], [sflag:s22] =	dma.local [hbm:s5], s20  }
0x9e: {  	_ =	swait.ge [sflag:s22], s20  }
0x9f: {  	s4 =	ssub.s32 $0x0, s20;
	[sflag:s22] =	ssyncset.done $0x0  }
0xa0: {  	[sflag:s22] =	ssyncadd.s32 s4;
	_ =	sdelay $0x1  }
0xa1: {  	s23 =	simm.s32 $0x1B8B  }
0xa2: {  	_ =	swait.ge [sflag:s23], $0x1  }
0xa3: {  	[sflag:s23] =	ssyncset.done $0x0  }
0xa4: {  	s25 =	simm.s32 $0x1B8E;
	s24 =	sld [smem:$0x3FFE];
	[sflag:s23] =	ssyncadd.s32 $0xFFFFFFFF  }
0xa5: {  	s26 =	simm.s32 $execute0_lowered;
	[smem:$0x3FD2] =	sst s25  }
0xa6: {  	s5 =	sshll.u32 s26, $0x1;
	_ =	strace $0x80000046;
	[dreg:$0x1] =	wrdreg $0xFFFFFFFF  }
0xa7: {  	s28 =	simm.s32 $_size_execute0_lowered;
	s3 =	sadd.s32 s3, s5;
	[dreg:$0x0] =	wrdreg $0x0  }
0xa8: {  	s5 =	sshll.u32 s28, $0x1;
	[dreg:$0x2] =	wrdreg s3  }
0xa9: {  	[dreg:$0x3] =	wrdreg s5  }
0xaa: {  	[dreg:$0x4] =	wrdreg $0xC0  }
0xab: {  	_ =	task [dreg:s7], $0x5FFFF  }
0xac: {  	[dreg:$0x1] =	wrdreg $0xFFFFFFFF  }
0xad: {  	[dreg:$0x0] =	wrdreg $0x60  }
0xae: {  	[dreg:$0x2] =	wrdreg s24  }
0xaf: {  	[dreg:$0x3] =	wrdreg s2  }
0xb0: {  	[dreg:$0x4] =	wrdreg $0x10000  }
0xb1: {  	[dreg:$0x5] =	wrdreg $0x9  }
0xb2: {  	_ =	task.clear_ibuf [dreg:s7], $0x6FFFF;
	_ =	strace $0x90000046  }
0xb3: {  	s29 =	simm.s32 $0x9;
	_ =	strace $0x80000048  }
0xb4: {  	_ =	swait.ge [sflag:s29], $0x1  }
0xb5: {  	[sflag:s29] =	ssyncadd.s32 $0xFFFFFFFF  }
0xb6: {  	_ =	strace $0x90000048  }
0xb7: {  	_ =	sfence  }
0xb8: {  	s30 =	sld [smem:$0x0];
	_ =	sdelay $0x2  }
0xb9: {  	s31 =	sshll.u32 s1, $0xD;
	s1 =	sshrl.u32 s1, $0x2  }
0xba: {  	s3 =	sand.u32 $0x4000, s31;
	s1 =	sadd.s32 s1, s30  }
0xbb: {  	s0 =	sor.u32 s3, s0;
	s1 =	sshll.u32 s1, $0x11  }
0xbc: {  	s0 =	sor.u32 s1, s0  }
0xbd: {  	s0 =	sadd.s32 $0x8F2B, s0  }
0xbe: {  	[sflag:s0] =	ssyncadd.remote.s32 $0x1  }
0xbf: {  	_ =	sfence.sel $0xFFFF  }
0xc0: {  	[dreg:$0x0] =	wrdreg $0xFFFFFFFF;
	(pc) =	sbr.abs _section_cstart, $3  }
0xc1: {  	[dreg:$0x1] =	wrdreg $0xFFFFFFFF  }
0xc2: {  	_ =	task.clear_ibuf [dreg:s7], $0x2FFFF;
	_ =	strace $0x9FFFFFFF  }
0xc3: {  	(tm) =	ssettm $0x7FFFFFFF  }
tec
execute0_lowered:
.L_overlay_start_1:
0x0: {  	(tag) =	ssettag $0x1  }
0x1: {  	s4 =	rddreg [dreg:$0x0]  }
0x2: {  	s5 =	rddreg [dreg:$0x1]  }
0x3: {  	s2 =	rddreg [dreg:$0x2]  }
0x4: {  	s1 =	stileid.u32;
	s0 =	srdreg.scid  }
0x5: {  	s3 =	simm.s32 $0x0;
	s6 =	smul.u32 $0x1280, s1;
	s0 =	sand.u32 $0x1, s0  }
0x6: {  	s7 =	sshll.u32 s1, $0x1;
	[smem:$0x7FF] =	sst s3;
	s9 =	sshll.u32 s1, $0x6  }
0x7: {  	s7 =	sor.u32 s0, s7;
	_ =	strace $0x80000047;
	s9 =	sor.u32 $0x1C09, s9  }
0x8: {  	s6 =	sadd.s32 s6, s4;
	s8 =	sshll.u32 s7, $0x9;
	s10 =	smul.u32 $0xC400, s7  }
0x9: {  	[dreg:$0x5] =	wrdreg s9;
	s6 =	sadd.s32 $0x4600, s6;
	s4 =	sadd.s32 s8, s4  }
0xa: {  	[dreg:$0x4] =	wrdreg s6;
	s11 =	sadd.s32 $0x600, s4;
	s4 =	sadd.s32 s5, s10  }
0xb: {  	s10 =	smul.u32 $0x25000, s1;
	s1 =	simm.s32 $0x180;
	[dreg:$0x6] =	wrdreg s11  }
0xc: {  	s12 =	sadd.s32 $0x700, s4;
	[smem:$0x7EF] =	sst s1  }
0xd: {  	s13 =	sadd.s32 $0xE00, s4;
	[dreg:$0x7] =	wrdreg s12  }
0xe: {  	s14 =	sadd.s32 $0x1500, s4;
	[dreg:$0x8] =	wrdreg s13  }
0xf: {  	s15 =	sadd.s32 $0x1C00, s4;
	[dreg:$0x9] =	wrdreg s14  }
0x10: {  	s16 =	sadd.s32 $0x2300, s4;
	[dreg:$0xa] =	wrdreg s15  }
0x11: {  	s17 =	sadd.s32 $0x2A00, s4;
	[dreg:$0xb] =	wrdreg s16  }
0x12: {  	s18 =	sadd.s32 $0x3100, s4;
	[dreg:$0xc] =	wrdreg s17  }
0x13: {  	s19 =	sadd.s32 $0x3800, s4;
	[dreg:$0xd] =	wrdreg s18  }
0x14: {  	s20 =	sadd.s32 $0x3F00, s4;
	[dreg:$0xe] =	wrdreg s19  }
0x15: {  	s21 =	sadd.s32 $0x4600, s4;
	[dreg:$0xf] =	wrdreg s20  }
0x16: {  	s22 =	sadd.s32 $0x4D00, s4;
	[dreg:$0x10] =	wrdreg s21  }
0x17: {  	s23 =	sadd.s32 $0x5400, s4;
	[dreg:$0x11] =	wrdreg s22  }
0x18: {  	s24 =	sadd.s32 $0x5B00, s4;
	[dreg:$0x12] =	wrdreg s23  }
0x19: {  	s25 =	sadd.s32 $0x6200, s4;
	[dreg:$0x13] =	wrdreg s24  }
0x1a: {  	s26 =	sadd.s32 $0x6900, s4;
	[dreg:$0x14] =	wrdreg s25  }
0x1b: {  	s8 =	sadd.s32 $0x7000, s4;
	[dreg:$0x15] =	wrdreg s26  }
0x1c: {  	s9 =	sadd.s32 $0x7700, s4;
	[dreg:$0x16] =	wrdreg s8  }
0x1d: {  	s11 =	sadd.s32 $0x7E00, s4;
	[dreg:$0x17] =	wrdreg s9  }
0x1e: {  	[dreg:$0x18] =	wrdreg s11;
	s12 =	sadd.s32 $0x8500, s4  }
0x1f: {  	s13 =	sadd.s32 $0x8C00, s4;
	[dreg:$0x19] =	wrdreg s12  }
0x20: {  	s14 =	sadd.s32 $0x9300, s4;
	[dreg:$0x1a] =	wrdreg s13  }
0x21: {  	s16 =	sadd.s32 $0x9A00, s4;
	[dreg:$0x1b] =	wrdreg s14  }
0x22: {  	s17 =	sadd.s32 $0xA100, s4;
	[dreg:$0x1c] =	wrdreg s16  }
0x23: {  	s25 =	simm.s32 $0x80;
	[dreg:$0x1d] =	wrdreg s17  }
0x24: {  	s7 =	smul.u32 $0xC40, s7;
	s26 =	simm.s32 $0x100;
	[smem:$0x7ED] =	sst s25  }
0x25: {  	s8 =	sshrl.u32 s10, $0x2;
	s10 =	simm.s32 $0x400;
	[smem:$0x7EE] =	sst s26  }
0x26: {  	s11 =	simm.s32 $0x480;
	[smem:$0x7F4] =	sst s10  }
0x27: {  	s19 =	smin.u32 s7, $0x17B40;
	[smem:$0x7F5] =	sst s11  }
0x28: {  	s20 =	sshll.u32 s19, $0x4;
	s17 =	rddreg [dreg:$0x5]  }
0x29: {  	s23 =	sadd.s32 s8, s2;
	s8 =	simm.s32 $0x300;
	s19 =	rddreg [dreg:$0x4]  }
0x2a: {  	s12 =	simm.s32 $0x500;
	[smem:$0x7F2] =	sst s8  }
0x2b: {  	s13 =	simm.s32 $0x580;
	[smem:$0x7F6] =	sst s12  }
0x2c: {  	s15 =	smin.u32 s7, $0x17BB0;
	s14 =	simm.s32 $0x600;
	[smem:$0x7F7] =	sst s13  }
0x2d: {  	s9 =	sshll.u32 s15, $0x4;
	s15 =	simm.s32 $0x680;
	[smem:$0x7F8] =	sst s14  }
0x2e: {  	s9 =	sadd.s32 s9, s5;
	s24 =	sshrl.u32 s23, $0x3;
	[smem:$0x7F9] =	sst s15  }
0x2f: {  	s6 =	sadd.s32 s20, s5;
	s20 =	simm.s32 $0x780;
	[smem:$0x7EC] =	sst s24  }
0x30: {  	s21 =	smin.u32 s7, $0x17AD0;
	s18 =	sadd.s32 $0xA800, s9;
	[smem:$0x7FB] =	sst s20  }
0x31: {  	s7 =	smin.u32 s7, $0x17A60;
	s6 =	sadd.s32 $0xAF00, s6;
	[dreg:$0x1e] =	wrdreg s18  }
0x32: {  	s7 =	sshll.u32 s7, $0x4;
	s9 =	sshll.u32 s21, $0x4;
	[dreg:$0x1f] =	wrdreg s6  }
0x33: {  	s9 =	sadd.s32 s9, s5;
	s6 =	simm.s32 $0x200;
	s16 =	sld [smem:$0x7EC]  }
0x34: {  	s5 =	sadd.s32 s7, s5;
	s7 =	simm.s32 $0x280;
	[smem:$0x7F0] =	sst s6  }
0x35: {  	s18 =	simm.s32 $0x700;
	[smem:$0x7F1] =	sst s7  }
0x36: {  	s22 =	sadd.s32 $0xB600, s9;
	[smem:$0x7FA] =	sst s18  }
0x37: {  	s5 =	sadd.s32 $0xBD00, s5;
	[smem:$0x7FC] =	sst s22  }
0x38: {  	s9 =	simm.s32 $0x380;
	[smem:$0x7FD] =	sst s5  }
0x39: {  	[smem:$0x7F3] =	sst s9;
	s5 =	simm.s32 $0x9  }
0x3a: {  	[spmem:s16], [sflag:s17] =	dma.local [hbm:s19], $0x1280  }
0x3b: {  	_ =	swait.ge [sflag:s5], $0x1280  }
0x3c: {  	[sflag:s5] =	ssyncset.done $0x0  }
0x3d: {  	s21 =	rddreg [dreg:$0x6];
	[sflag:s5] =	ssyncadd.s32 $0xFFFFED80  }
0x3e: {  	[tilespmem:s3], [sflag:$0x9] =	stream.linear.gather [hbm4b:s21+s3], $0xE00, $0x38;
	[tilespmem:$0x18400] =	vst v63  }
0x3f: {  	_ =	swait.ge [sflag:s5], $0xE00  }
0x40: {  	[sflag:s5] =	ssyncset.done $0x0  }
0x41: {  	[sflag:s5] =	ssyncadd.s32 $0xFFFFF200  }
0x42: {  	[bflag:$0x0] =	sbarrier.arrive $0xFFFF  }
0x43: {  	s6 =	simm.s32 $0x70;
	s7 =	simm.s32 $0xA400;
	s22 =	sld [smem:$0x7ED]  }
0x44: {  	[tilespmem:s7], [sflag:$0x1] =	stream.indirect.gather [spmem:s2], $0x80, s3, s6, $0xb8;
	[tilespmem:$0x18400] =	vst v63  }
0x45: {  	s8 =	simm.s32 $0xDC00;
	s23 =	sld [smem:$0x7EE]  }
0x46: {  	[tilespmem:s8], [sflag:$0x2] =	stream.indirect.gather [spmem:s2], $0x80, s22, s6, $0xb8;
	[tilespmem:$0x18400] =	vst v63  }
0x47: {  	s9 =	simm.s32 $0x11400;
	s12 =	sld [smem:$0x7EF]  }
0x48: {  	[tilespmem:s9], [sflag:$0x3] =	stream.indirect.gather [spmem:s2], $0x80, s23, s6, $0xb8;
	[tilespmem:$0x18400] =	vst v63  }
0x49: {  	s10 =	simm.s32 $0x14C00;
	s11 =	simm.s32 $0x1  }
0x4a: {  	[tilespmem:s10], [sflag:$0x4] =	stream.indirect.gather [spmem:s2], $0x80, s12, s6, $0xb8;
	[tilespmem:$0x18400] =	vst v63  }
0x4b: {  	_ =	swait.ge [sflag:s11], $0x3800  }
0x4c: {  	[sflag:s11] =	ssyncset.done $0x0  }
0x4d: {  	s12 =	simm.s32 $0x5;
	[sflag:s11] =	ssyncadd.s32 $0xFFFFC800  }
0x4e: {  	[hbm4b:s4+s3] =	stream.linear.scatter [tilespmem:s7], [sflag:$0x5], $0x3800, $0x38;
	[tilespmem:$0x18400] =	vst v63  }
0x4f: {  	_ =	swait.ge [sflag:s12], $0x3800  }
0x50: {  	s14 =	sld [smem:$0x7F0]  }
0x51: {  	[sflag:s12] =	ssyncset.done $0x0  }
0x52: {  	s13 =	simm.s32 $0x2;
	[sflag:s12] =	ssyncadd.s32 $0xFFFFC800  }
0x53: {  	[tilespmem:s7], [sflag:$0x1] =	stream.indirect.gather [spmem:s2], $0x80, s14, s6, $0xb8;
	[tilespmem:$0x18400] =	vst v63  }
0x54: {  	_ =	swait.ge [sflag:s13], $0x3800  }
0x55: {  	[sflag:s13] =	ssyncset.done $0x0  }
0x56: {  	s14 =	simm.s32 $0x6;
	s15 =	rddreg [dreg:$0x7];
	[sflag:s13] =	ssyncadd.s32 $0xFFFFC800  }
0x57: {  	[hbm4b:s15+s3] =	stream.linear.scatter [tilespmem:s8], [sflag:$0x6], $0x3800, $0x38;
	[tilespmem:$0x18400] =	vst v63  }
0x58: {  	_ =	swait.ge [sflag:s14], $0x3800  }
0x59: {  	s16 =	sld [smem:$0x7F1]  }
0x5a: {  	[sflag:s14] =	ssyncset.done $0x0  }
0x5b: {  	s15 =	simm.s32 $0x3;
	[sflag:s14] =	ssyncadd.s32 $0xFFFFC800  }
0x5c: {  	[tilespmem:s8], [sflag:$0x2] =	stream.indirect.gather [spmem:s2], $0x80, s16, s6, $0xb8;
	[tilespmem:$0x18400] =	vst v63  }
0x5d: {  	_ =	swait.ge [sflag:s15], $0x3800  }
0x5e: {  	[sflag:s15] =	ssyncset.done $0x0  }
0x5f: {  	s16 =	simm.s32 $0x7;
	s17 =	rddreg [dreg:$0x8];
	[sflag:s15] =	ssyncadd.s32 $0xFFFFC800  }
0x60: {  	[hbm4b:s17+s3] =	stream.linear.scatter [tilespmem:s9], [sflag:$0x7], $0x3800, $0x38;
	[tilespmem:$0x18400] =	vst v63  }
0x61: {  	_ =	swait.ge [sflag:s16], $0x3800  }
0x62: {  	s18 =	sld [smem:$0x7F2]  }
0x63: {  	[sflag:s16] =	ssyncset.done $0x0  }
0x64: {  	s17 =	simm.s32 $0x4;
	[sflag:s16] =	ssyncadd.s32 $0xFFFFC800  }
0x65: {  	[tilespmem:s9], [sflag:$0x3] =	stream.indirect.gather [spmem:s2], $0x80, s18, s6, $0xb8;
	[tilespmem:$0x18400] =	vst v63  }
0x66: {  	_ =	swait.ge [sflag:s17], $0x3800  }
0x67: {  	[sflag:s17] =	ssyncset.done $0x0  }
0x68: {  	s18 =	simm.s32 $0x8;
	s19 =	rddreg [dreg:$0x9];
	[sflag:s17] =	ssyncadd.s32 $0xFFFFC800  }
0x69: {  	[hbm4b:s19+s3] =	stream.linear.scatter [tilespmem:s10], [sflag:$0x8], $0x3800, $0x38;
	[tilespmem:$0x18400] =	vst v63  }
0x6a: {  	_ =	swait.ge [sflag:s18], $0x3800  }
0x6b: {  	s24 =	sld [smem:$0x7F3]  }
0x6c: {  	[sflag:s18] =	ssyncset.done $0x0  }
0x6d: {  	[sflag:s18] =	ssyncadd.s32 $0xFFFFC800  }
0x6e: {  	[tilespmem:s10], [sflag:$0x4] =	stream.indirect.gather [spmem:s2], $0x80, s24, s6, $0xb8;
	[tilespmem:$0x18400] =	vst v63  }
0x6f: {  	_ =	swait.ge [sflag:s11], $0x3800  }
0x70: {  	[sflag:s11] =	ssyncset.done $0x0  }
0x71: {  	s25 =	rddreg [dreg:$0xa];
	[sflag:s11] =	ssyncadd.s32 $0xFFFFC800  }
0x72: {  	[hbm4b:s25+s3] =	stream.linear.scatter [tilespmem:s7], [sflag:$0x5], $0x3800, $0x38;
	[tilespmem:$0x18400] =	vst v63  }
0x73: {  	_ =	swait.ge [sflag:s12], $0x3800  }
0x74: {  	s26 =	sld [smem:$0x7F4]  }
0x75: {  	[sflag:s12] =	ssyncset.done $0x0  }
0x76: {  	[sflag:s12] =	ssyncadd.s32 $0xFFFFC800  }
0x77: {  	[tilespmem:s7], [sflag:$0x1] =	stream.indirect.gather [spmem:s2], $0x80, s26, s6, $0xb8;
	[tilespmem:$0x18400] =	vst v63  }
0x78: {  	_ =	swait.ge [sflag:s13], $0x3800  }
0x79: {  	[sflag:s13] =	ssyncset.done $0x0  }
0x7a: {  	s1 =	rddreg [dreg:$0xb];
	[sflag:s13] =	ssyncadd.s32 $0xFFFFC800  }
0x7b: {  	[hbm4b:s1+s3] =	stream.linear.scatter [tilespmem:s8], [sflag:$0x6], $0x3800, $0x38;
	[tilespmem:$0x18400] =	vst v63  }
0x7c: {  	_ =	swait.ge [sflag:s14], $0x3800  }
0x7d: {  	s20 =	sld [smem:$0x7F5]  }
0x7e: {  	[sflag:s14] =	ssyncset.done $0x0  }
0x7f: {  	[sflag:s14] =	ssyncadd.s32 $0xFFFFC800  }
0x80: {  	[tilespmem:s8], [sflag:$0x2] =	stream.indirect.gather [spmem:s2], $0x80, s20, s6, $0xb8;
	[tilespmem:$0x18400] =	vst v63  }
0x81: {  	_ =	swait.ge [sflag:s15], $0x3800  }
0x82: {  	[sflag:s15] =	ssyncset.done $0x0  }
0x83: {  	s21 =	rddreg [dreg:$0xc];
	[sflag:s15] =	ssyncadd.s32 $0xFFFFC800  }
0x84: {  	[hbm4b:s21+s3] =	stream.linear.scatter [tilespmem:s9], [sflag:$0x7], $0x3800, $0x38;
	[tilespmem:$0x18400] =	vst v63  }
0x85: {  	_ =	swait.ge [sflag:s16], $0x3800  }
0x86: {  	s22 =	sld [smem:$0x7F6]  }
0x87: {  	[sflag:s16] =	ssyncset.done $0x0  }
0x88: {  	[sflag:s16] =	ssyncadd.s32 $0xFFFFC800  }
0x89: {  	[tilespmem:s9], [sflag:$0x3] =	stream.indirect.gather [spmem:s2], $0x80, s22, s6, $0xb8;
	[tilespmem:$0x18400] =	vst v63  }
0x8a: {  	_ =	swait.ge [sflag:s17], $0x3800  }
0x8b: {  	[sflag:s17] =	ssyncset.done $0x0  }
0x8c: {  	s23 =	rddreg [dreg:$0xd];
	[sflag:s17] =	ssyncadd.s32 $0xFFFFC800  }
0x8d: {  	[hbm4b:s23+s3] =	stream.linear.scatter [tilespmem:s10], [sflag:$0x8], $0x3800, $0x38;
	[tilespmem:$0x18400] =	vst v63  }
0x8e: {  	_ =	swait.ge [sflag:s18], $0x3800  }
0x8f: {  	s24 =	sld [smem:$0x7F7]  }
0x90: {  	[sflag:s18] =	ssyncset.done $0x0  }
0x91: {  	[sflag:s18] =	ssyncadd.s32 $0xFFFFC800  }
0x92: {  	[tilespmem:s10], [sflag:$0x4] =	stream.indirect.gather [spmem:s2], $0x80, s24, s6, $0xb8;
	[tilespmem:$0x18400] =	vst v63  }
0x93: {  	_ =	swait.ge [sflag:s11], $0x3800  }
0x94: {  	[sflag:s11] =	ssyncset.done $0x0  }
0x95: {  	s25 =	rddreg [dreg:$0xe];
	[sflag:s11] =	ssyncadd.s32 $0xFFFFC800  }
0x96: {  	[hbm4b:s25+s3] =	stream.linear.scatter [tilespmem:s7], [sflag:$0x5], $0x3800, $0x38;
	[tilespmem:$0x18400] =	vst v63  }
0x97: {  	_ =	swait.ge [sflag:s12], $0x3800  }
0x98: {  	s26 =	sld [smem:$0x7F8]  }
0x99: {  	[sflag:s12] =	ssyncset.done $0x0  }
0x9a: {  	[sflag:s12] =	ssyncadd.s32 $0xFFFFC800  }
0x9b: {  	[tilespmem:s7], [sflag:$0x1] =	stream.indirect.gather [spmem:s2], $0x80, s26, s6, $0xb8;
	[tilespmem:$0x18400] =	vst v63  }
0x9c: {  	_ =	swait.ge [sflag:s13], $0x3800  }
0x9d: {  	[sflag:s13] =	ssyncset.done $0x0  }
0x9e: {  	s1 =	rddreg [dreg:$0xf];
	[sflag:s13] =	ssyncadd.s32 $0xFFFFC800  }
0x9f: {  	[hbm4b:s1+s3] =	stream.linear.scatter [tilespmem:s8], [sflag:$0x6], $0x3800, $0x38;
	[tilespmem:$0x18400] =	vst v63  }
0xa0: {  	_ =	swait.ge [sflag:s14], $0x3800  }
0xa1: {  	s20 =	sld [smem:$0x7F9]  }
0xa2: {  	[sflag:s14] =	ssyncset.done $0x0  }
0xa3: {  	[sflag:s14] =	ssyncadd.s32 $0xFFFFC800  }
0xa4: {  	[tilespmem:s8], [sflag:$0x2] =	stream.indirect.gather [spmem:s2], $0x80, s20, s6, $0xb8;
	[tilespmem:$0x18400] =	vst v63  }
0xa5: {  	_ =	swait.ge [sflag:s15], $0x3800  }
0xa6: {  	[sflag:s15] =	ssyncset.done $0x0  }
0xa7: {  	s21 =	rddreg [dreg:$0x10];
	[sflag:s15] =	ssyncadd.s32 $0xFFFFC800  }
0xa8: {  	[hbm4b:s21+s3] =	stream.linear.scatter [tilespmem:s9], [sflag:$0x7], $0x3800, $0x38;
	[tilespmem:$0x18400] =	vst v63  }
0xa9: {  	_ =	swait.ge [sflag:s16], $0x3800  }
0xaa: {  	s22 =	sld [smem:$0x7FA]  }
0xab: {  	[sflag:s16] =	ssyncset.done $0x0  }
0xac: {  	[sflag:s16] =	ssyncadd.s32 $0xFFFFC800  }
0xad: {  	[tilespmem:s9], [sflag:$0x3] =	stream.indirect.gather [spmem:s2], $0x80, s22, s6, $0xb8;
	[tilespmem:$0x18400] =	vst v63  }
0xae: {  	_ =	swait.ge [sflag:s17], $0x3800  }
0xaf: {  	[sflag:s17] =	ssyncset.done $0x0  }
0xb0: {  	s23 =	rddreg [dreg:$0x11];
	[sflag:s17] =	ssyncadd.s32 $0xFFFFC800  }
0xb1: {  	[hbm4b:s23+s3] =	stream.linear.scatter [tilespmem:s10], [sflag:$0x8], $0x3800, $0x38;
	[tilespmem:$0x18400] =	vst v63  }
0xb2: {  	_ =	swait.ge [sflag:s18], $0x3800  }
0xb3: {  	s24 =	sld [smem:$0x7FB]  }
0xb4: {  	[sflag:s18] =	ssyncset.done $0x0  }
0xb5: {  	[sflag:s18] =	ssyncadd.s32 $0xFFFFC800  }
0xb6: {  	[tilespmem:s10], [sflag:$0x4] =	stream.indirect.gather [spmem:s2], $0x80, s24, s6, $0xb8;
	[tilespmem:$0x18400] =	vst v63  }
0xb7: {  	_ =	swait.ge [sflag:s11], $0x3800  }
0xb8: {  	[sflag:s11] =	ssyncset.done $0x0  }
0xb9: {  	s25 =	rddreg [dreg:$0x12];
	[sflag:s11] =	ssyncadd.s32 $0xFFFFC800  }
0xba: {  	[hbm4b:s25+s3] =	stream.linear.scatter [tilespmem:s7], [sflag:$0x5], $0x3800, $0x38;
	[tilespmem:$0x18400] =	vst v63  }
0xbb: {  	_ =	swait.ge [sflag:s12], $0x3800  }
0xbc: {  	[sflag:s12] =	ssyncset.done $0x0  }
0xbd: {  	s26 =	simm.s32 $0x800;
	[sflag:s12] =	ssyncadd.s32 $0xFFFFC800  }
0xbe: {  	[tilespmem:s7], [sflag:$0x1] =	stream.indirect.gather [spmem:s2], $0x80, s26, s6, $0xb8;
	[tilespmem:$0x18400] =	vst v63  }
0xbf: {  	_ =	swait.ge [sflag:s13], $0x3800  }
0xc0: {  	[sflag:s13] =	ssyncset.done $0x0  }
0xc1: {  	s20 =	rddreg [dreg:$0x13];
	[sflag:s13] =	ssyncadd.s32 $0xFFFFC800  }
0xc2: {  	[hbm4b:s20+s3] =	stream.linear.scatter [tilespmem:s8], [sflag:$0x6], $0x3800, $0x38;
	[tilespmem:$0x18400] =	vst v63  }
0xc3: {  	_ =	swait.ge [sflag:s14], $0x3800  }
0xc4: {  	[sflag:s14] =	ssyncset.done $0x0  }
0xc5: {  	s19 =	simm.s32 $0x880;
	[sflag:s14] =	ssyncadd.s32 $0xFFFFC800  }
0xc6: {  	[tilespmem:s8], [sflag:$0x2] =	stream.indirect.gather [spmem:s2], $0x80, s19, s6, $0xb8;
	[tilespmem:$0x18400] =	vst v63  }
0xc7: {  	_ =	swait.ge [sflag:s15], $0x3800  }
0xc8: {  	[sflag:s15] =	ssyncset.done $0x0  }
0xc9: {  	s21 =	rddreg [dreg:$0x14];
	[sflag:s15] =	ssyncadd.s32 $0xFFFFC800  }
0xca: {  	[hbm4b:s21+s3] =	stream.linear.scatter [tilespmem:s9], [sflag:$0x7], $0x3800, $0x38;
	[tilespmem:$0x18400] =	vst v63  }
0xcb: {  	_ =	swait.ge [sflag:s16], $0x3800  }
0xcc: {  	[sflag:s16] =	ssyncset.done $0x0  }
0xcd: {  	s21 =	simm.s32 $0x900;
	[sflag:s16] =	ssyncadd.s32 $0xFFFFC800  }
0xce: {  	[tilespmem:s9], [sflag:$0x3] =	stream.indirect.gather [spmem:s2], $0x80, s21, s6, $0xb8;
	[tilespmem:$0x18400] =	vst v63  }
0xcf: {  	_ =	swait.ge [sflag:s17], $0x3800  }
0xd0: {  	[sflag:s17] =	ssyncset.done $0x0  }
0xd1: {  	s22 =	rddreg [dreg:$0x15];
	[sflag:s17] =	ssyncadd.s32 $0xFFFFC800  }
0xd2: {  	[hbm4b:s22+s3] =	stream.linear.scatter [tilespmem:s10], [sflag:$0x8], $0x3800, $0x38;
	[tilespmem:$0x18400] =	vst v63  }
0xd3: {  	_ =	swait.ge [sflag:s18], $0x3800  }
0xd4: {  	[sflag:s18] =	ssyncset.done $0x0  }
0xd5: {  	s22 =	simm.s32 $0x980;
	[sflag:s18] =	ssyncadd.s32 $0xFFFFC800  }
0xd6: {  	[tilespmem:s10], [sflag:$0x4] =	stream.indirect.gather [spmem:s2], $0x80, s22, s6, $0xb8;
	[tilespmem:$0x18400] =	vst v63  }
0xd7: {  	_ =	swait.ge [sflag:s11], $0x3800  }
0xd8: {  	[sflag:s11] =	ssyncset.done $0x0  }
0xd9: {  	s23 =	rddreg [dreg:$0x16];
	[sflag:s11] =	ssyncadd.s32 $0xFFFFC800  }
0xda: {  	[hbm4b:s23+s3] =	stream.linear.scatter [tilespmem:s7], [sflag:$0x5], $0x3800, $0x38;
	[tilespmem:$0x18400] =	vst v63  }
0xdb: {  	_ =	swait.ge [sflag:s12], $0x3800  }
0xdc: {  	[sflag:s12] =	ssyncset.done $0x0  }
0xdd: {  	s23 =	simm.s32 $0xA00;
	[sflag:s12] =	ssyncadd.s32 $0xFFFFC800  }
0xde: {  	[tilespmem:s7], [sflag:$0x1] =	stream.indirect.gather [spmem:s2], $0x80, s23, s6, $0xb8;
	[tilespmem:$0x18400] =	vst v63  }
0xdf: {  	_ =	swait.ge [sflag:s13], $0x3800  }
0xe0: {  	[sflag:s13] =	ssyncset.done $0x0  }
0xe1: {  	s24 =	rddreg [dreg:$0x17];
	[sflag:s13] =	ssyncadd.s32 $0xFFFFC800  }
0xe2: {  	[hbm4b:s24+s3] =	stream.linear.scatter [tilespmem:s8], [sflag:$0x6], $0x3800, $0x38;
	[tilespmem:$0x18400] =	vst v63  }
0xe3: {  	_ =	swait.ge [sflag:s14], $0x3800  }
0xe4: {  	[sflag:s14] =	ssyncset.done $0x0  }
0xe5: {  	s24 =	simm.s32 $0xA80;
	[sflag:s14] =	ssyncadd.s32 $0xFFFFC800  }
0xe6: {  	[tilespmem:s8], [sflag:$0x2] =	stream.indirect.gather [spmem:s2], $0x80, s24, s6, $0xb8;
	[tilespmem:$0x18400] =	vst v63  }
0xe7: {  	_ =	swait.ge [sflag:s15], $0x3800  }
0xe8: {  	[sflag:s15] =	ssyncset.done $0x0  }
0xe9: {  	s25 =	rddreg [dreg:$0x18];
	[sflag:s15] =	ssyncadd.s32 $0xFFFFC800  }
0xea: {  	[hbm4b:s25+s3] =	stream.linear.scatter [tilespmem:s9], [sflag:$0x7], $0x3800, $0x38;
	[tilespmem:$0x18400] =	vst v63  }
0xeb: {  	_ =	swait.ge [sflag:s16], $0x3800  }
0xec: {  	[sflag:s16] =	ssyncset.done $0x0  }
0xed: {  	s25 =	simm.s32 $0xB00;
	[sflag:s16] =	ssyncadd.s32 $0xFFFFC800  }
0xee: {  	[tilespmem:s9], [sflag:$0x3] =	stream.indirect.gather [spmem:s2], $0x80, s25, s6, $0xb8;
	[tilespmem:$0x18400] =	vst v63  }
0xef: {  	_ =	swait.ge [sflag:s17], $0x3800  }
0xf0: {  	[sflag:s17] =	ssyncset.done $0x0  }
0xf1: {  	s26 =	rddreg [dreg:$0x19];
	[sflag:s17] =	ssyncadd.s32 $0xFFFFC800  }
0xf2: {  	[hbm4b:s26+s3] =	stream.linear.scatter [tilespmem:s10], [sflag:$0x8], $0x3800, $0x38;
	[tilespmem:$0x18400] =	vst v63  }
0xf3: {  	_ =	swait.ge [sflag:s18], $0x3800  }
0xf4: {  	[sflag:s18] =	ssyncset.done $0x0  }
0xf5: {  	s26 =	simm.s32 $0xB80;
	[sflag:s18] =	ssyncadd.s32 $0xFFFFC800  }
0xf6: {  	[tilespmem:s10], [sflag:$0x4] =	stream.indirect.gather [spmem:s2], $0x80, s26, s6, $0xb8;
	[tilespmem:$0x18400] =	vst v63  }
0xf7: {  	_ =	swait.ge [sflag:s11], $0x3800  }
0xf8: {  	[sflag:s11] =	ssyncset.done $0x0  }
0xf9: {  	s28 =	rddreg [dreg:$0x1a];
	[sflag:s11] =	ssyncadd.s32 $0xFFFFC800  }
0xfa: {  	[hbm4b:s28+s3] =	stream.linear.scatter [tilespmem:s7], [sflag:$0x5], $0x3800, $0x38;
	[tilespmem:$0x18400] =	vst v63  }
0xfb: {  	_ =	swait.ge [sflag:s12], $0x3800  }
0xfc: {  	[sflag:s12] =	ssyncset.done $0x0  }
0xfd: {  	s28 =	simm.s32 $0xC00;
	[sflag:s12] =	ssyncadd.s32 $0xFFFFC800  }
0xfe: {  	[tilespmem:s7], [sflag:$0x1] =	stream.indirect.gather [spmem:s2], $0x80, s28, s6, $0xb8;
	[tilespmem:$0x18400] =	vst v63  }
0xff: {  	_ =	swait.ge [sflag:s13], $0x3800  }
0x100: {  	[sflag:s13] =	ssyncset.done $0x0  }
0x101: {  	s29 =	rddreg [dreg:$0x1b];
	[sflag:s13] =	ssyncadd.s32 $0xFFFFC800  }
0x102: {  	[hbm4b:s29+s3] =	stream.linear.scatter [tilespmem:s8], [sflag:$0x6], $0x3800, $0x38;
	[tilespmem:$0x18400] =	vst v63  }
0x103: {  	_ =	swait.ge [sflag:s14], $0x3800  }
0x104: {  	[sflag:s14] =	ssyncset.done $0x0  }
0x105: {  	s29 =	simm.s32 $0xC80;
	[sflag:s14] =	ssyncadd.s32 $0xFFFFC800  }
0x106: {  	[tilespmem:s8], [sflag:$0x2] =	stream.indirect.gather [spmem:s2], $0x80, s29, s6, $0xb8;
	[tilespmem:$0x18400] =	vst v63  }
0x107: {  	_ =	swait.ge [sflag:s15], $0x3800  }
0x108: {  	[sflag:s15] =	ssyncset.done $0x0  }
0x109: {  	s30 =	rddreg [dreg:$0x1c];
	[sflag:s15] =	ssyncadd.s32 $0xFFFFC800  }
0x10a: {  	[hbm4b:s30+s3] =	stream.linear.scatter [tilespmem:s9], [sflag:$0x7], $0x3800, $0x38;
	[tilespmem:$0x18400] =	vst v63  }
0x10b: {  	_ =	swait.ge [sflag:s16], $0x3800  }
0x10c: {  	[sflag:s16] =	ssyncset.done $0x0  }
0x10d: {  	s30 =	simm.s32 $0xD00;
	[sflag:s16] =	ssyncadd.s32 $0xFFFFC800  }
0x10e: {  	[tilespmem:s9], [sflag:$0x3] =	stream.indirect.gather [spmem:s2], $0x80, s30, s6, $0xb8;
	[tilespmem:$0x18400] =	vst v63  }
0x10f: {  	_ =	swait.ge [sflag:s17], $0x3800  }
0x110: {  	[sflag:s17] =	ssyncset.done $0x0  }
0x111: {  	s31 =	rddreg [dreg:$0x1d];
	[sflag:s17] =	ssyncadd.s32 $0xFFFFC800  }
0x112: {  	[hbm4b:s31+s3] =	stream.linear.scatter [tilespmem:s10], [sflag:$0x8], $0x3800, $0x38;
	[tilespmem:$0x18400] =	vst v63  }
0x113: {  	_ =	swait.ge [sflag:s18], $0x3800  }
0x114: {  	[sflag:s18] =	ssyncset.done $0x0  }
0x115: {  	s31 =	simm.s32 $0xD80;
	[sflag:s18] =	ssyncadd.s32 $0xFFFFC800  }
0x116: {  	[tilespmem:s10], [sflag:$0x4] =	stream.indirect.gather [spmem:s2], $0x80, s31, s6, $0xb8;
	[tilespmem:$0x18400] =	vst v63  }
0x117: {  	_ =	swait.ge [sflag:s11], $0x3800  }
0x118: {  	[sflag:s11] =	ssyncset.done $0x0  }
0x119: {  	s20 =	rddreg [dreg:$0x1e];
	[sflag:s11] =	ssyncadd.s32 $0xFFFFC800  }
0x11a: {  	[hbm4b:s20+s3] =	stream.linear.scatter [tilespmem:s7], [sflag:$0x5], $0x3800, $0x38;
	[tilespmem:$0x18400] =	vst v63  }
0x11b: {  	_ =	swait.ge [sflag:s13], $0x3800  }
0x11c: {  	[sflag:s13] =	ssyncset.done $0x0  }
0x11d: {  	s19 =	rddreg [dreg:$0x1f];
	[sflag:s13] =	ssyncadd.s32 $0xFFFFC800  }
0x11e: {  	[hbm4b:s19+s3] =	stream.linear.scatter [tilespmem:s8], [sflag:$0x6], $0x3800, $0x38;
	[tilespmem:$0x18400] =	vst v63  }
0x11f: {  	_ =	swait.ge [sflag:s15], $0x3800  }
0x120: {  	s20 =	sld [smem:$0x7FC]  }
0x121: {  	[sflag:s15] =	ssyncset.done $0x0  }
0x122: {  	[sflag:s15] =	ssyncadd.s32 $0xFFFFC800  }
0x123: {  	[hbm4b:s20+s3] =	stream.linear.scatter [tilespmem:s9], [sflag:$0x7], $0x3800, $0x38;
	[tilespmem:$0x18400] =	vst v63  }
0x124: {  	_ =	swait.ge [sflag:s17], $0x3800  }
0x125: {  	s19 =	sld [smem:$0x7FD]  }
0x126: {  	[sflag:s17] =	ssyncset.done $0x0  }
0x127: {  	s0 =	ssub.s32 $0x2, s0;
	[sflag:s17] =	ssyncadd.s32 $0xFFFFC800  }
0x128: {  	[hbm4b:s19+s3] =	stream.linear.scatter [tilespmem:s10], [sflag:$0x8], $0x3800, $0x38;
	[tilespmem:$0x18400] =	vst v63  }
0x129: {  	s20 =	sshrl.u32 s0, $0x1;
	_ =	swait.ge [sflag:s12], $0x3800  }
0x12a: {  	s0 =	ssub.s32 s0, s20;
	[sflag:s12] =	ssyncset.done $0x0  }
0x12b: {  	s0 =	smax.u32 s0, $0x1;
	[sflag:s12] =	ssyncadd.s32 $0xFFFFC800  }
0x12c: {  	p0 =	sne.s32 s0, $0x1;
	_ =	swait.ge [sflag:s14], $0x3800  }
.Ltmp0:
0x12d: {  	[sflag:s14] =	ssyncset.done $0x0;
	(pc) =	sbr.rel @!p0 .LBB2_2-.Ltmp0, $4  }
0x12e: {  	[sflag:s14] =	ssyncadd.s32 $0xFFFFC800  }
0x12f: {  	_ =	swait.ge [sflag:s16], $0x3800  }
0x130: {  	[sflag:s16] =	ssyncset.done $0x0  }
0x131: {  	s0 =	sadd.s32 $0xFFFFFFFF, s0;
	[sflag:s16] =	ssyncadd.s32 $0xFFFFC800  }
.LBB2_1:
0x132: {  	_ =	swait.ge [sflag:s18], $0x3800  }
0x133: {  	s1 =	sld [smem:$0x7EC]  }
0x134: {  	[sflag:s18] =	ssyncset.done $0x0;
	s19 =	rddreg [dreg:$0x5]  }
0x135: {  	s20 =	rddreg [dreg:$0x4];
	[sflag:s18] =	ssyncadd.s32 $0xFFFFC800  }
0x136: {  	[spmem:s1], [sflag:s19] =	dma.local [hbm:s20], $0x1280  }
0x137: {  	_ =	swait.ge [sflag:s5], $0x1280  }
0x138: {  	[sflag:s5] =	ssyncset.done $0x0  }
0x139: {  	s19 =	rddreg [dreg:$0x6];
	[sflag:s5] =	ssyncadd.s32 $0xFFFFED80  }
0x13a: {  	[tilespmem:s3], [sflag:$0x9] =	stream.linear.gather [hbm4b:s19+s3], $0xE00, $0x38;
	[tilespmem:$0x18400] =	vst v63  }
0x13b: {  	_ =	swait.ge [sflag:s5], $0xE00  }
0x13c: {  	[sflag:s5] =	ssyncset.done $0x0  }
0x13d: {  	[sflag:s5] =	ssyncadd.s32 $0xFFFFF200  }
0x13e: {  	[bflag:$0x0] =	sbarrier.arrive $0xFFFF  }
0x13f: {  	s20 =	sld [smem:$0x7ED]  }
0x140: {  	[tilespmem:s7], [sflag:$0x1] =	stream.indirect.gather [spmem:s2], $0x80, s3, s6, $0xb8;
	[tilespmem:$0x18400] =	vst v63  }
0x141: {  	s19 =	sld [smem:$0x7EE]  }
0x142: {  	[tilespmem:s8], [sflag:$0x2] =	stream.indirect.gather [spmem:s2], $0x80, s20, s6, $0xb8;
	[tilespmem:$0x18400] =	vst v63  }
0x143: {  	s20 =	sld [smem:$0x7EF]  }
0x144: {  	[tilespmem:s9], [sflag:$0x3] =	stream.indirect.gather [spmem:s2], $0x80, s19, s6, $0xb8;
	[tilespmem:$0x18400] =	vst v63  }
0x145: {  	_ = 	snop  }
0x146: {  	[tilespmem:s10], [sflag:$0x4] =	stream.indirect.gather [spmem:s2], $0x80, s20, s6, $0xb8;
	[tilespmem:$0x18400] =	vst v63  }
0x147: {  	_ =	swait.ge [sflag:s11], $0x3800  }
0x148: {  	[sflag:s11] =	ssyncset.done $0x0  }
0x149: {  	[sflag:s11] =	ssyncadd.s32 $0xFFFFC800  }
0x14a: {  	[hbm4b:s4+s3] =	stream.linear.scatter [tilespmem:s7], [sflag:$0x5], $0x3800, $0x38;
	[tilespmem:$0x18400] =	vst v63  }
0x14b: {  	_ =	swait.ge [sflag:s12], $0x3800  }
0x14c: {  	s20 =	sld [smem:$0x7F0]  }
0x14d: {  	[sflag:s12] =	ssyncset.done $0x0  }
0x14e: {  	[sflag:s12] =	ssyncadd.s32 $0xFFFFC800  }
0x14f: {  	[tilespmem:s7], [sflag:$0x1] =	stream.indirect.gather [spmem:s2], $0x80, s20, s6, $0xb8;
	[tilespmem:$0x18400] =	vst v63  }
0x150: {  	_ =	swait.ge [sflag:s13], $0x3800  }
0x151: {  	[sflag:s13] =	ssyncset.done $0x0  }
0x152: {  	s19 =	rddreg [dreg:$0x7];
	[sflag:s13] =	ssyncadd.s32 $0xFFFFC800  }
0x153: {  	[hbm4b:s19+s3] =	stream.linear.scatter [tilespmem:s8], [sflag:$0x6], $0x3800, $0x38;
	[tilespmem:$0x18400] =	vst v63  }
0x154: {  	_ =	swait.ge [sflag:s14], $0x3800  }
0x155: {  	s20 =	sld [smem:$0x7F1]  }
0x156: {  	[sflag:s14] =	ssyncset.done $0x0  }
0x157: {  	[sflag:s14] =	ssyncadd.s32 $0xFFFFC800  }
0x158: {  	[tilespmem:s8], [sflag:$0x2] =	stream.indirect.gather [spmem:s2], $0x80, s20, s6, $0xb8;
	[tilespmem:$0x18400] =	vst v63  }
0x159: {  	_ =	swait.ge [sflag:s15], $0x3800  }
0x15a: {  	[sflag:s15] =	ssyncset.done $0x0  }
0x15b: {  	s19 =	rddreg [dreg:$0x8];
	[sflag:s15] =	ssyncadd.s32 $0xFFFFC800  }
0x15c: {  	[hbm4b:s19+s3] =	stream.linear.scatter [tilespmem:s9], [sflag:$0x7], $0x3800, $0x38;
	[tilespmem:$0x18400] =	vst v63  }
0x15d: {  	_ =	swait.ge [sflag:s16], $0x3800  }
0x15e: {  	s20 =	sld [smem:$0x7F2]  }
0x15f: {  	[sflag:s16] =	ssyncset.done $0x0  }
0x160: {  	[sflag:s16] =	ssyncadd.s32 $0xFFFFC800  }
0x161: {  	[tilespmem:s9], [sflag:$0x3] =	stream.indirect.gather [spmem:s2], $0x80, s20, s6, $0xb8;
	[tilespmem:$0x18400] =	vst v63  }
0x162: {  	_ =	swait.ge [sflag:s17], $0x3800  }
0x163: {  	[sflag:s17] =	ssyncset.done $0x0  }
0x164: {  	s19 =	rddreg [dreg:$0x9];
	[sflag:s17] =	ssyncadd.s32 $0xFFFFC800  }
0x165: {  	[hbm4b:s19+s3] =	stream.linear.scatter [tilespmem:s10], [sflag:$0x8], $0x3800, $0x38;
	[tilespmem:$0x18400] =	vst v63  }
0x166: {  	_ =	swait.ge [sflag:s18], $0x3800  }
0x167: {  	s20 =	sld [smem:$0x7F3]  }
0x168: {  	[sflag:s18] =	ssyncset.done $0x0  }
0x169: {  	[sflag:s18] =	ssyncadd.s32 $0xFFFFC800  }
0x16a: {  	[tilespmem:s10], [sflag:$0x4] =	stream.indirect.gather [spmem:s2], $0x80, s20, s6, $0xb8;
	[tilespmem:$0x18400] =	vst v63  }
0x16b: {  	_ =	swait.ge [sflag:s11], $0x3800  }
0x16c: {  	[sflag:s11] =	ssyncset.done $0x0  }
0x16d: {  	s19 =	rddreg [dreg:$0xa];
	[sflag:s11] =	ssyncadd.s32 $0xFFFFC800  }
0x16e: {  	[hbm4b:s19+s3] =	stream.linear.scatter [tilespmem:s7], [sflag:$0x5], $0x3800, $0x38;
	[tilespmem:$0x18400] =	vst v63  }
0x16f: {  	_ =	swait.ge [sflag:s12], $0x3800  }
0x170: {  	s20 =	sld [smem:$0x7F4]  }
0x171: {  	[sflag:s12] =	ssyncset.done $0x0  }
0x172: {  	[sflag:s12] =	ssyncadd.s32 $0xFFFFC800  }
0x173: {  	[tilespmem:s7], [sflag:$0x1] =	stream.indirect.gather [spmem:s2], $0x80, s20, s6, $0xb8;
	[tilespmem:$0x18400] =	vst v63  }
0x174: {  	_ =	swait.ge [sflag:s13], $0x3800  }
0x175: {  	[sflag:s13] =	ssyncset.done $0x0  }
0x176: {  	s19 =	rddreg [dreg:$0xb];
	[sflag:s13] =	ssyncadd.s32 $0xFFFFC800  }
0x177: {  	[hbm4b:s19+s3] =	stream.linear.scatter [tilespmem:s8], [sflag:$0x6], $0x3800, $0x38;
	[tilespmem:$0x18400] =	vst v63  }
0x178: {  	_ =	swait.ge [sflag:s14], $0x3800  }
0x179: {  	s20 =	sld [smem:$0x7F5]  }
0x17a: {  	[sflag:s14] =	ssyncset.done $0x0  }
0x17b: {  	[sflag:s14] =	ssyncadd.s32 $0xFFFFC800  }
0x17c: {  	[tilespmem:s8], [sflag:$0x2] =	stream.indirect.gather [spmem:s2], $0x80, s20, s6, $0xb8;
	[tilespmem:$0x18400] =	vst v63  }
0x17d: {  	_ =	swait.ge [sflag:s15], $0x3800  }
0x17e: {  	[sflag:s15] =	ssyncset.done $0x0  }
0x17f: {  	s19 =	rddreg [dreg:$0xc];
	[sflag:s15] =	ssyncadd.s32 $0xFFFFC800  }
0x180: {  	[hbm4b:s19+s3] =	stream.linear.scatter [tilespmem:s9], [sflag:$0x7], $0x3800, $0x38;
	[tilespmem:$0x18400] =	vst v63  }
0x181: {  	_ =	swait.ge [sflag:s16], $0x3800  }
0x182: {  	s20 =	sld [smem:$0x7F6]  }
0x183: {  	[sflag:s16] =	ssyncset.done $0x0  }
0x184: {  	[sflag:s16] =	ssyncadd.s32 $0xFFFFC800  }
0x185: {  	[tilespmem:s9], [sflag:$0x3] =	stream.indirect.gather [spmem:s2], $0x80, s20, s6, $0xb8;
	[tilespmem:$0x18400] =	vst v63  }
0x186: {  	_ =	swait.ge [sflag:s17], $0x3800  }
0x187: {  	[sflag:s17] =	ssyncset.done $0x0  }
0x188: {  	s19 =	rddreg [dreg:$0xd];
	[sflag:s17] =	ssyncadd.s32 $0xFFFFC800  }
0x189: {  	[hbm4b:s19+s3] =	stream.linear.scatter [tilespmem:s10], [sflag:$0x8], $0x3800, $0x38;
	[tilespmem:$0x18400] =	vst v63  }
0x18a: {  	_ =	swait.ge [sflag:s18], $0x3800  }
0x18b: {  	s20 =	sld [smem:$0x7F7]  }
0x18c: {  	[sflag:s18] =	ssyncset.done $0x0  }
0x18d: {  	[sflag:s18] =	ssyncadd.s32 $0xFFFFC800  }
0x18e: {  	[tilespmem:s10], [sflag:$0x4] =	stream.indirect.gather [spmem:s2], $0x80, s20, s6, $0xb8;
	[tilespmem:$0x18400] =	vst v63  }
0x18f: {  	_ =	swait.ge [sflag:s11], $0x3800  }
0x190: {  	[sflag:s11] =	ssyncset.done $0x0  }
0x191: {  	s19 =	rddreg [dreg:$0xe];
	[sflag:s11] =	ssyncadd.s32 $0xFFFFC800  }
0x192: {  	[hbm4b:s19+s3] =	stream.linear.scatter [tilespmem:s7], [sflag:$0x5], $0x3800, $0x38;
	[tilespmem:$0x18400] =	vst v63  }
0x193: {  	_ =	swait.ge [sflag:s12], $0x3800  }
0x194: {  	s20 =	sld [smem:$0x7F8]  }
0x195: {  	[sflag:s12] =	ssyncset.done $0x0  }
0x196: {  	[sflag:s12] =	ssyncadd.s32 $0xFFFFC800  }
0x197: {  	[tilespmem:s7], [sflag:$0x1] =	stream.indirect.gather [spmem:s2], $0x80, s20, s6, $0xb8;
	[tilespmem:$0x18400] =	vst v63  }
0x198: {  	_ =	swait.ge [sflag:s13], $0x3800  }
0x199: {  	[sflag:s13] =	ssyncset.done $0x0  }
0x19a: {  	s19 =	rddreg [dreg:$0xf];
	[sflag:s13] =	ssyncadd.s32 $0xFFFFC800  }
0x19b: {  	[hbm4b:s19+s3] =	stream.linear.scatter [tilespmem:s8], [sflag:$0x6], $0x3800, $0x38;
	[tilespmem:$0x18400] =	vst v63  }
0x19c: {  	_ =	swait.ge [sflag:s14], $0x3800  }
0x19d: {  	s20 =	sld [smem:$0x7F9]  }
0x19e: {  	[sflag:s14] =	ssyncset.done $0x0  }
0x19f: {  	[sflag:s14] =	ssyncadd.s32 $0xFFFFC800  }
0x1a0: {  	[tilespmem:s8], [sflag:$0x2] =	stream.indirect.gather [spmem:s2], $0x80, s20, s6, $0xb8;
	[tilespmem:$0x18400] =	vst v63  }
0x1a1: {  	_ =	swait.ge [sflag:s15], $0x3800  }
0x1a2: {  	[sflag:s15] =	ssyncset.done $0x0  }
0x1a3: {  	s19 =	rddreg [dreg:$0x10];
	[sflag:s15] =	ssyncadd.s32 $0xFFFFC800  }
0x1a4: {  	[hbm4b:s19+s3] =	stream.linear.scatter [tilespmem:s9], [sflag:$0x7], $0x3800, $0x38;
	[tilespmem:$0x18400] =	vst v63  }
0x1a5: {  	_ =	swait.ge [sflag:s16], $0x3800  }
0x1a6: {  	s20 =	sld [smem:$0x7FA]  }
0x1a7: {  	[sflag:s16] =	ssyncset.done $0x0  }
0x1a8: {  	[sflag:s16] =	ssyncadd.s32 $0xFFFFC800  }
0x1a9: {  	[tilespmem:s9], [sflag:$0x3] =	stream.indirect.gather [spmem:s2], $0x80, s20, s6, $0xb8;
	[tilespmem:$0x18400] =	vst v63  }
0x1aa: {  	_ =	swait.ge [sflag:s17], $0x3800  }
0x1ab: {  	[sflag:s17] =	ssyncset.done $0x0  }
0x1ac: {  	s19 =	rddreg [dreg:$0x11];
	[sflag:s17] =	ssyncadd.s32 $0xFFFFC800  }
0x1ad: {  	[hbm4b:s19+s3] =	stream.linear.scatter [tilespmem:s10], [sflag:$0x8], $0x3800, $0x38;
	[tilespmem:$0x18400] =	vst v63  }
0x1ae: {  	_ =	swait.ge [sflag:s18], $0x3800  }
0x1af: {  	s20 =	sld [smem:$0x7FB]  }
0x1b0: {  	[sflag:s18] =	ssyncset.done $0x0  }
0x1b1: {  	[sflag:s18] =	ssyncadd.s32 $0xFFFFC800  }
0x1b2: {  	[tilespmem:s10], [sflag:$0x4] =	stream.indirect.gather [spmem:s2], $0x80, s20, s6, $0xb8;
	[tilespmem:$0x18400] =	vst v63  }
0x1b3: {  	_ =	swait.ge [sflag:s11], $0x3800  }
0x1b4: {  	[sflag:s11] =	ssyncset.done $0x0  }
0x1b5: {  	s19 =	rddreg [dreg:$0x12];
	[sflag:s11] =	ssyncadd.s32 $0xFFFFC800  }
0x1b6: {  	[hbm4b:s19+s3] =	stream.linear.scatter [tilespmem:s7], [sflag:$0x5], $0x3800, $0x38;
	[tilespmem:$0x18400] =	vst v63  }
0x1b7: {  	_ =	swait.ge [sflag:s12], $0x3800  }
0x1b8: {  	[sflag:s12] =	ssyncset.done $0x0  }
0x1b9: {  	s20 =	simm.s32 $0x800;
	[sflag:s12] =	ssyncadd.s32 $0xFFFFC800  }
0x1ba: {  	[tilespmem:s7], [sflag:$0x1] =	stream.indirect.gather [spmem:s2], $0x80, s20, s6, $0xb8;
	[tilespmem:$0x18400] =	vst v63  }
0x1bb: {  	_ =	swait.ge [sflag:s13], $0x3800  }
0x1bc: {  	[sflag:s13] =	ssyncset.done $0x0  }
0x1bd: {  	s19 =	rddreg [dreg:$0x13];
	[sflag:s13] =	ssyncadd.s32 $0xFFFFC800  }
0x1be: {  	[hbm4b:s19+s3] =	stream.linear.scatter [tilespmem:s8], [sflag:$0x6], $0x3800, $0x38;
	[tilespmem:$0x18400] =	vst v63  }
0x1bf: {  	_ =	swait.ge [sflag:s14], $0x3800  }
0x1c0: {  	[sflag:s14] =	ssyncset.done $0x0  }
0x1c1: {  	s20 =	simm.s32 $0x880;
	[sflag:s14] =	ssyncadd.s32 $0xFFFFC800  }
0x1c2: {  	[tilespmem:s8], [sflag:$0x2] =	stream.indirect.gather [spmem:s2], $0x80, s20, s6, $0xb8;
	[tilespmem:$0x18400] =	vst v63  }
0x1c3: {  	_ =	swait.ge [sflag:s15], $0x3800  }
0x1c4: {  	[sflag:s15] =	ssyncset.done $0x0  }
0x1c5: {  	s19 =	rddreg [dreg:$0x14];
	[sflag:s15] =	ssyncadd.s32 $0xFFFFC800  }
0x1c6: {  	[hbm4b:s19+s3] =	stream.linear.scatter [tilespmem:s9], [sflag:$0x7], $0x3800, $0x38;
	[tilespmem:$0x18400] =	vst v63  }
0x1c7: {  	_ =	swait.ge [sflag:s16], $0x3800  }
0x1c8: {  	[sflag:s16] =	ssyncset.done $0x0  }
0x1c9: {  	[sflag:s16] =	ssyncadd.s32 $0xFFFFC800  }
0x1ca: {  	[tilespmem:s9], [sflag:$0x3] =	stream.indirect.gather [spmem:s2], $0x80, s21, s6, $0xb8;
	[tilespmem:$0x18400] =	vst v63  }
0x1cb: {  	_ =	swait.ge [sflag:s17], $0x3800  }
0x1cc: {  	[sflag:s17] =	ssyncset.done $0x0  }
0x1cd: {  	s20 =	rddreg [dreg:$0x15];
	[sflag:s17] =	ssyncadd.s32 $0xFFFFC800  }
0x1ce: {  	[hbm4b:s20+s3] =	stream.linear.scatter [tilespmem:s10], [sflag:$0x8], $0x3800, $0x38;
	[tilespmem:$0x18400] =	vst v63  }
0x1cf: {  	_ =	swait.ge [sflag:s18], $0x3800  }
0x1d0: {  	[sflag:s18] =	ssyncset.done $0x0  }
0x1d1: {  	[sflag:s18] =	ssyncadd.s32 $0xFFFFC800  }
0x1d2: {  	[tilespmem:s10], [sflag:$0x4] =	stream.indirect.gather [spmem:s2], $0x80, s22, s6, $0xb8;
	[tilespmem:$0x18400] =	vst v63  }
0x1d3: {  	_ =	swait.ge [sflag:s11], $0x3800  }
0x1d4: {  	[sflag:s11] =	ssyncset.done $0x0  }
0x1d5: {  	s19 =	rddreg [dreg:$0x16];
	[sflag:s11] =	ssyncadd.s32 $0xFFFFC800  }
0x1d6: {  	[hbm4b:s19+s3] =	stream.linear.scatter [tilespmem:s7], [sflag:$0x5], $0x3800, $0x38;
	[tilespmem:$0x18400] =	vst v63  }
0x1d7: {  	_ =	swait.ge [sflag:s12], $0x3800  }
0x1d8: {  	[sflag:s12] =	ssyncset.done $0x0  }
0x1d9: {  	[sflag:s12] =	ssyncadd.s32 $0xFFFFC800  }
0x1da: {  	[tilespmem:s7], [sflag:$0x1] =	stream.indirect.gather [spmem:s2], $0x80, s23, s6, $0xb8;
	[tilespmem:$0x18400] =	vst v63  }
0x1db: {  	_ =	swait.ge [sflag:s13], $0x3800  }
0x1dc: {  	[sflag:s13] =	ssyncset.done $0x0  }
0x1dd: {  	s20 =	rddreg [dreg:$0x17];
	[sflag:s13] =	ssyncadd.s32 $0xFFFFC800  }
0x1de: {  	[hbm4b:s20+s3] =	stream.linear.scatter [tilespmem:s8], [sflag:$0x6], $0x3800, $0x38;
	[tilespmem:$0x18400] =	vst v63  }
0x1df: {  	_ =	swait.ge [sflag:s14], $0x3800  }
0x1e0: {  	[sflag:s14] =	ssyncset.done $0x0  }
0x1e1: {  	[sflag:s14] =	ssyncadd.s32 $0xFFFFC800  }
0x1e2: {  	[tilespmem:s8], [sflag:$0x2] =	stream.indirect.gather [spmem:s2], $0x80, s24, s6, $0xb8;
	[tilespmem:$0x18400] =	vst v63  }
0x1e3: {  	_ =	swait.ge [sflag:s15], $0x3800  }
0x1e4: {  	[sflag:s15] =	ssyncset.done $0x0  }
0x1e5: {  	s19 =	rddreg [dreg:$0x18];
	[sflag:s15] =	ssyncadd.s32 $0xFFFFC800  }
0x1e6: {  	[hbm4b:s19+s3] =	stream.linear.scatter [tilespmem:s9], [sflag:$0x7], $0x3800, $0x38;
	[tilespmem:$0x18400] =	vst v63  }
0x1e7: {  	_ =	swait.ge [sflag:s16], $0x3800  }
0x1e8: {  	[sflag:s16] =	ssyncset.done $0x0  }
0x1e9: {  	[sflag:s16] =	ssyncadd.s32 $0xFFFFC800  }
0x1ea: {  	[tilespmem:s9], [sflag:$0x3] =	stream.indirect.gather [spmem:s2], $0x80, s25, s6, $0xb8;
	[tilespmem:$0x18400] =	vst v63  }
0x1eb: {  	_ =	swait.ge [sflag:s17], $0x3800  }
0x1ec: {  	[sflag:s17] =	ssyncset.done $0x0  }
0x1ed: {  	s20 =	rddreg [dreg:$0x19];
	[sflag:s17] =	ssyncadd.s32 $0xFFFFC800  }
0x1ee: {  	[hbm4b:s20+s3] =	stream.linear.scatter [tilespmem:s10], [sflag:$0x8], $0x3800, $0x38;
	[tilespmem:$0x18400] =	vst v63  }
0x1ef: {  	_ =	swait.ge [sflag:s18], $0x3800  }
0x1f0: {  	[sflag:s18] =	ssyncset.done $0x0  }
0x1f1: {  	[sflag:s18] =	ssyncadd.s32 $0xFFFFC800  }
0x1f2: {  	[tilespmem:s10], [sflag:$0x4] =	stream.indirect.gather [spmem:s2], $0x80, s26, s6, $0xb8;
	[tilespmem:$0x18400] =	vst v63  }
0x1f3: {  	_ =	swait.ge [sflag:s11], $0x3800  }
0x1f4: {  	[sflag:s11] =	ssyncset.done $0x0  }
0x1f5: {  	s19 =	rddreg [dreg:$0x1a];
	[sflag:s11] =	ssyncadd.s32 $0xFFFFC800  }
0x1f6: {  	[hbm4b:s19+s3] =	stream.linear.scatter [tilespmem:s7], [sflag:$0x5], $0x3800, $0x38;
	[tilespmem:$0x18400] =	vst v63  }
0x1f7: {  	_ =	swait.ge [sflag:s12], $0x3800  }
0x1f8: {  	[sflag:s12] =	ssyncset.done $0x0  }
0x1f9: {  	[sflag:s12] =	ssyncadd.s32 $0xFFFFC800  }
0x1fa: {  	[tilespmem:s7], [sflag:$0x1] =	stream.indirect.gather [spmem:s2], $0x80, s28, s6, $0xb8;
	[tilespmem:$0x18400] =	vst v63  }
0x1fb: {  	_ =	swait.ge [sflag:s13], $0x3800  }
0x1fc: {  	[sflag:s13] =	ssyncset.done $0x0  }
0x1fd: {  	s20 =	rddreg [dreg:$0x1b];
	[sflag:s13] =	ssyncadd.s32 $0xFFFFC800  }
0x1fe: {  	[hbm4b:s20+s3] =	stream.linear.scatter [tilespmem:s8], [sflag:$0x6], $0x3800, $0x38;
	[tilespmem:$0x18400] =	vst v63  }
0x1ff: {  	_ =	swait.ge [sflag:s14], $0x3800  }
0x200: {  	[sflag:s14] =	ssyncset.done $0x0  }
0x201: {  	[sflag:s14] =	ssyncadd.s32 $0xFFFFC800  }
0x202: {  	[tilespmem:s8], [sflag:$0x2] =	stream.indirect.gather [spmem:s2], $0x80, s29, s6, $0xb8;
	[tilespmem:$0x18400] =	vst v63  }
0x203: {  	_ =	swait.ge [sflag:s15], $0x3800  }
0x204: {  	[sflag:s15] =	ssyncset.done $0x0  }
0x205: {  	s19 =	rddreg [dreg:$0x1c];
	[sflag:s15] =	ssyncadd.s32 $0xFFFFC800  }
0x206: {  	[hbm4b:s19+s3] =	stream.linear.scatter [tilespmem:s9], [sflag:$0x7], $0x3800, $0x38;
	[tilespmem:$0x18400] =	vst v63  }
0x207: {  	_ =	swait.ge [sflag:s16], $0x3800  }
0x208: {  	[sflag:s16] =	ssyncset.done $0x0  }
0x209: {  	[sflag:s16] =	ssyncadd.s32 $0xFFFFC800  }
0x20a: {  	[tilespmem:s9], [sflag:$0x3] =	stream.indirect.gather [spmem:s2], $0x80, s30, s6, $0xb8;
	[tilespmem:$0x18400] =	vst v63  }
0x20b: {  	_ =	swait.ge [sflag:s17], $0x3800  }
0x20c: {  	[sflag:s17] =	ssyncset.done $0x0  }
0x20d: {  	s20 =	rddreg [dreg:$0x1d];
	[sflag:s17] =	ssyncadd.s32 $0xFFFFC800  }
0x20e: {  	[hbm4b:s20+s3] =	stream.linear.scatter [tilespmem:s10], [sflag:$0x8], $0x3800, $0x38;
	[tilespmem:$0x18400] =	vst v63  }
0x20f: {  	_ =	swait.ge [sflag:s18], $0x3800  }
0x210: {  	[sflag:s18] =	ssyncset.done $0x0  }
0x211: {  	[sflag:s18] =	ssyncadd.s32 $0xFFFFC800  }
0x212: {  	[tilespmem:s10], [sflag:$0x4] =	stream.indirect.gather [spmem:s2], $0x80, s31, s6, $0xb8;
	[tilespmem:$0x18400] =	vst v63  }
0x213: {  	_ =	swait.ge [sflag:s11], $0x3800  }
0x214: {  	[sflag:s11] =	ssyncset.done $0x0  }
0x215: {  	s19 =	rddreg [dreg:$0x1e];
	[sflag:s11] =	ssyncadd.s32 $0xFFFFC800  }
0x216: {  	[hbm4b:s19+s3] =	stream.linear.scatter [tilespmem:s7], [sflag:$0x5], $0x3800, $0x38;
	[tilespmem:$0x18400] =	vst v63  }
0x217: {  	_ =	swait.ge [sflag:s13], $0x3800  }
0x218: {  	[sflag:s13] =	ssyncset.done $0x0  }
0x219: {  	s20 =	rddreg [dreg:$0x1f];
	[sflag:s13] =	ssyncadd.s32 $0xFFFFC800  }
0x21a: {  	[hbm4b:s20+s3] =	stream.linear.scatter [tilespmem:s8], [sflag:$0x6], $0x3800, $0x38;
	[tilespmem:$0x18400] =	vst v63  }
0x21b: {  	_ =	swait.ge [sflag:s15], $0x3800  }
0x21c: {  	s19 =	sld [smem:$0x7FC]  }
0x21d: {  	[sflag:s15] =	ssyncset.done $0x0  }
0x21e: {  	[sflag:s15] =	ssyncadd.s32 $0xFFFFC800  }
0x21f: {  	[hbm4b:s19+s3] =	stream.linear.scatter [tilespmem:s9], [sflag:$0x7], $0x3800, $0x38;
	[tilespmem:$0x18400] =	vst v63  }
0x220: {  	_ =	swait.ge [sflag:s17], $0x3800  }
0x221: {  	s20 =	sld [smem:$0x7FD]  }
0x222: {  	[sflag:s17] =	ssyncset.done $0x0  }
0x223: {  	[sflag:s17] =	ssyncadd.s32 $0xFFFFC800  }
0x224: {  	[hbm4b:s20+s3] =	stream.linear.scatter [tilespmem:s10], [sflag:$0x8], $0x3800, $0x38;
	[tilespmem:$0x18400] =	vst v63  }
0x225: {  	_ =	swait.ge [sflag:s12], $0x3800  }
0x226: {  	[sflag:s12] =	ssyncset.done $0x0  }
0x227: {  	[sflag:s12] =	ssyncadd.s32 $0xFFFFC800  }
0x228: {  	p0 =	sne.s32 s0, $0x1;
	_ =	swait.ge [sflag:s14], $0x3800  }
.Ltmp1:
0x229: {  	[sflag:s14] =	ssyncset.done $0x0;
	(pc) =	sbr.rel @p0 .LBB2_1-.Ltmp1, $4  }
0x22a: {  	[sflag:s14] =	ssyncadd.s32 $0xFFFFC800  }
0x22b: {  	_ =	swait.ge [sflag:s16], $0x3800  }
0x22c: {  	[sflag:s16] =	ssyncset.done $0x0  }
0x22d: {  	s0 =	sadd.s32 $0xFFFFFFFF, s0;
	[sflag:s16] =	ssyncadd.s32 $0xFFFFC800  }
.LBB2_2:
0x22e: {  	_ =	swait.ge [sflag:s18], $0x3800  }
0x22f: {  	[sflag:s18] =	ssyncset.done $0x0  }
0x230: {  	[sflag:s18] =	ssyncadd.s32 $0xFFFFC800  }
0x231: {  	_ =	sfence.sel $0x180000  }
0x232: {  	[bflag:$0x0] =	sbarrier.arrive $0xFFFF  }
0x233: {  	_ =	strace $0x90000047  }
0x234: {  	s0 =	stileid.u32;
	[bflag:$0x2] =	sbarrier.arrive $0xFFFF  }
0x235: {  	p0 =	sne.s32 s0, $0x0;
	s0 =	rddreg [dreg:$0x3]  }
0x236: {  	s0 =	sadd.s32 @!p0 $0x100000, s0  }
0x237: {  	[sflag:s0] =	ssyncadd.tile.s32 @!p0 $0x1;
	_ =	shalt  }
.Lfunc_end2:
_tile_overlayer_lowered:
.L_overlay_start_2:
0x238: {  	(tag) =	ssettag $0x2  }
0x239: {  	s0 =	rddreg [dreg:$0x0];
	s2 =	stileid.u32  }
0x23a: {  	s1 =	rddreg [dreg:$0x1];
	p0 =	sne.s32 s2, $0x0  }
0x23b: {  	s3 =	rddreg [dreg:$0x2];
	[bflag:$0x3] =	sbarrier.arrive $0xFFFF;
	s2 =	simm.s32 @!p0 $0x1C09  }
0x23c: {  	[timem:s3], [sflag:s2] =	dma.local @!p0 [hbm:s0], s1  }
0x23d: {  	s0 =	simm.s32 @!p0 $0x9  }
0x23e: {  	_ =	swait.ge @!p0 [sflag:s0], s1  }
0x23f: {  	s1 =	ssub.s32 @!p0 $0x0, s1;
	[sflag:s0] =	ssyncset.done @!p0 $0x0  }
0x240: {  	[sflag:s0] =	ssyncadd.s32 @!p0 s1  }
0x241: {  	[bflag:$0x3] =	sbarrier.arrive $0xFFFF  }
0x242: {  	_ =	shalt  }

</sc_bundles>
